<compile_context>
chip_gen: v7x
topology: tpu7x:2x2x1
jax: 0.10.2.dev20260603
libtpu: 0.0.44.dev20260713+nightly
codegen_flags: <defaults>
</compile_context>

<pallas_src>
import jax
import jax.numpy as jnp
from jax import lax
from jax.experimental import pallas as pl
from jax.experimental.pallas import tpu as pltpu
from jax.experimental.pallas import tpu_sc as plsc

L = 16

OFF_CARD = 1001
OFF_POTION = 1033
OFF_PATH = 1073
OFF_LINKS = 1163
OFF_BOSS = 1283
OFF_SCAL = 1299
OUT_LEN = 1302
OUT_PAD = 1312

N_DECK = 100
DECK_PAD = 112

C_DECK = 0
C_COLL = 112
C_POTION = 1120
C_PATH = 1136
C_TAIL = 1152
C_POT_EMB = 1280
C_NODE_EMB = 1696
C_BOSS_EMB = 1760
C_TOTAL = 2080
BOSS_ID_POS = C_TAIL + 123


def _body(comb_h, card_emb_h, out_h,
          comb_v, cards_v, out_v, sem, gsem):
    @pl.when(jnp.logical_and(lax.axis_index("c") == 0, lax.axis_index("s") == 0))
    def _():
        d1 = pltpu.async_copy(comb_h.at[pl.ds(0, DECK_PAD)],
                              comb_v.at[pl.ds(0, DECK_PAD)], sem)
        d2 = pltpu.async_copy(comb_h.at[pl.ds(DECK_PAD, C_TOTAL - DECK_PAD)],
                              comb_v.at[pl.ds(DECK_PAD, C_TOTAL - DECK_PAD)], sem)
        d1.wait()
        gather = pltpu.async_copy(card_emb_h.at[comb_v.at[pl.ds(C_DECK, DECK_PAD)]],
                                  cards_v, gsem)
        d2.wait()

        lanes = lax.iota(jnp.int32, L)
        f32 = jnp.float32

        def cast_chunk(i, carry):
            out_v[pl.ds(i * L, L)] = comb_v[pl.ds(C_COLL + i * L, L)].astype(f32)
            return carry

        lax.fori_loop(0, 62, cast_chunk, 0)
        t = 62 * L + lanes
        plsc.store_scatter(out_v, [t],
                           comb_v[pl.ds(C_COLL + 62 * L, L)].astype(f32),
                           mask=t < OFF_CARD)

        for c in range(3):
            t = c * L + lanes
            row = plsc.load_gather(comb_v, [C_POTION + t // 8])
            val = plsc.load_gather(comb_v, [C_POT_EMB + row * 8 + t % 8])
            plsc.store_scatter(out_v, [OFF_POTION + t],
                               plsc.bitcast(val, f32), mask=t < 40)

        for c in range(6):
            t = c * L + lanes
            row = plsc.load_gather(comb_v, [C_PATH + t // 6])
            val = plsc.load_gather(comb_v, [C_NODE_EMB + row * 6 + t % 6])
            plsc.store_scatter(out_v, [OFF_PATH + t],
                               plsc.bitcast(val, f32), mask=t < 90)

        for c in range(8):
            t = c * L + lanes
            val = comb_v[pl.ds(C_TAIL + c * L, L)].astype(f32)
            idx = jnp.where(t < 120, OFF_LINKS + t, OFF_SCAL + (t - 120))
            plsc.store_scatter(out_v, [idx], val, mask=t < 123)

        boss = plsc.load_gather(comb_v, [jnp.full((L,), BOSS_ID_POS, jnp.int32)])
        bval = plsc.load_gather(comb_v, [C_BOSS_EMB + boss * L + lanes])
        plsc.store_scatter(out_v, [OFF_BOSS + lanes], plsc.bitcast(bval, f32))

        gather.wait()

        def acc(i, carry):
            a0, a1 = carry
            return (a0 + cards_v[i, pl.ds(0, L)], a1 + cards_v[i, pl.ds(L, L)])

        zero = jnp.zeros((L,), f32)
        a0, a1 = lax.fori_loop(0, N_DECK, acc, (zero, zero))
        scale = f32(1.0 / N_DECK)
        plsc.store_scatter(out_v, [OFF_CARD + lanes], a0 * scale)
        plsc.store_scatter(out_v, [OFF_CARD + L + lanes], a1 * scale)

        pltpu.sync_copy(out_v.at[pl.ds(0, OUT_LEN)], out_h)


_encode = pl.kernel(
    _body,
    out_type=jax.ShapeDtypeStruct((OUT_LEN,), jnp.float32),
    mesh=plsc.VectorSubcoreMesh(core_axis_name="c", subcore_axis_name="s",
                                num_cores=1, num_subcores=1),
    compiler_params=pltpu.CompilerParams(needs_layout_passes=False,
                                         use_tc_tiling_on_sc=False,
                                         skip_device_barrier=True),
    scratch_types=[
        pltpu.VMEM((C_TOTAL,), jnp.int32),
        pltpu.VMEM((DECK_PAD, 32), jnp.float32),
        pltpu.VMEM((OUT_PAD,), jnp.float32),
        pltpu.SemaphoreType.DMA,
        pltpu.SemaphoreType.DMA,
    ],
)


def kernel(collection, card_deck, potion, path_nodes, current_links,
           next_links, boss_id, current_health, max_health, current_floor,
           card_embed, potion_embed, node_embed, boss_embed):
    i32 = jnp.int32
    bits = lambda x: jax.lax.bitcast_convert_type(x.reshape(-1), i32)
    comb = jnp.concatenate([
        card_deck.astype(i32), jnp.zeros((12,), i32),
        collection.astype(i32), jnp.zeros((7,), i32),
        potion.astype(i32), jnp.zeros((11,), i32),
        path_nodes.astype(i32), jnp.zeros((1,), i32),
        current_links.astype(i32).reshape(-1),
        next_links.astype(i32).reshape(-1),
        jnp.stack([jnp.asarray(current_health, i32),
                   jnp.asarray(max_health, i32),
                   jnp.asarray(current_floor, i32),
                   jnp.asarray(boss_id, i32)]),
        jnp.zeros((4,), i32),
        bits(potion_embed), jnp.zeros((8,), i32),
        bits(node_embed), jnp.zeros((4,), i32),
        bits(boss_embed),
    ])
    return _encode(comb, card_embed)

# --- scband reference (transcript-rebuilt; emitter-appended) ---
"""Pipeline reference for scband-state-encoder-84756884619306 (READ-ONLY COPY).

The authoritative reference and input builder live on the scoring server;
editing this copy changes nothing except your own understanding.
"""

import jax, jax.numpy as jnp
import numpy as np

EMBED_DIM = 32

def setup_inputs(seed: int = 0) -> dict:
    key = jax.random.key(seed)
    ks = jax.random.split(key, 12)
    collection = jax.random.randint(ks[0], (1001,), 0, 2, dtype=jnp.int64 if jax.config.jax_enable_x64 else jnp.int32)
    card_deck = jax.random.randint(ks[1], (100,), 0, 1001)
    potion = jax.random.randint(ks[2], (5,), 0, 51)
    path_nodes = jax.random.randint(ks[3], (15,), 0, 10)
    current_links = jax.random.randint(ks[4], (15,), 0, 2)
    next_links = jax.random.randint(ks[5], (15, 7), 0, 2)
    card_embed = jax.random.normal(ks[6], (1001, EMBED_DIM), dtype=jnp.float32)
    potion_embed = jax.random.normal(ks[7], (51, 8), dtype=jnp.float32)
    node_embed = jax.random.normal(ks[8], (10, 6), dtype=jnp.float32)
    boss_embed = jax.random.normal(ks[9], (20, 16), dtype=jnp.float32)
    return {
        'collection': collection,
        'card_deck': card_deck,
        'potion': potion,
        'path_nodes': path_nodes,
        'current_links': current_links,
        'next_links': next_links,
        'boss_id': 7,
        'current_health': 68,
        'max_health': 80,
        'current_floor': 12,
        'card_embed': card_embed,
        'potion_embed': potion_embed,
        'node_embed': node_embed,
        'boss_embed': boss_embed,
    }

def reference(collection, card_deck, potion, path_nodes, current_links, next_links, boss_id, current_health, max_health, current_floor, card_embed, potion_embed, node_embed, boss_embed):
    # embedding lookups (gather) matching nn.Embedding(idx)
    card_enc = jnp.take(card_embed, card_deck, axis=0).mean(axis=0)
    potion_enc = jnp.take(potion_embed, potion, axis=0).reshape(-1)
    path_enc = jnp.take(node_embed, path_nodes, axis=0).reshape(-1)
    boss_enc = jnp.take(boss_embed, jnp.array([boss_id]), axis=0)[0]
    out = jnp.concatenate([
        collection.astype(jnp.float32),
        card_enc,
        potion_enc,
        path_enc,
        current_links.astype(jnp.float32),
        next_links.reshape(-1).astype(jnp.float32),
        boss_enc,
        jnp.array([current_health], dtype=jnp.float32),
        jnp.array([max_health], dtype=jnp.float32),
        jnp.array([current_floor], dtype=jnp.float32),
    ])
    return out

if __name__ == "__main__":
    import jax
    _d = setup_inputs()
    print(jax.jit(kernel)(*tuple(_d.values())))

</pallas_src>

<mosaic_0001>
#map = affine_map<(d0, d1) -> (0)>
#map1 = affine_map<(d0, d1) -> (0, 0)>
module attributes {stable_mosaic.version = 14 : i64} {
  func.func @_body(%arg0: i32, %arg1: i32, %arg2: memref<2080xi32, #tpu.memory_space<hbm>>, %arg3: memref<1001x32xf32, #tpu.memory_space<hbm>>, %arg4: memref<1302xf32, #tpu.memory_space<hbm>>, %arg5: memref<2080xi32, #tpu.memory_space<vmem>>, %arg6: memref<112x32xf32, #tpu.memory_space<vmem>>, %arg7: memref<1312xf32, #tpu.memory_space<vmem>>, %arg8: memref<!tpu.dma_semaphore, #tpu.memory_space<semaphore_mem>>, %arg9: memref<!tpu.dma_semaphore, #tpu.memory_space<semaphore_mem>>) attributes {dimension_semantics = [#tpu.dimension_semantics<core_parallel>, #tpu.dimension_semantics<subcore_parallel>], iteration_bounds = array<i64: 1, 1>, scalar_prefetch = 0 : i64, scratch_operands = 5 : i64, tpu.core_type = #tpu.core_type<sc_vector_subcore>, window_params = [{transform_indices = #map}, {transform_indices = #map1}, {transform_indices = #map}]} {
    %eq3A = arith.constant 0 : i32
    %eq3A_0 = arith.cmpi eq, %arg0, %eq3A : i32
    %eq3A_1 = arith.constant 0 : i32
    %eq3A_2 = arith.cmpi eq, %arg1, %eq3A_1 : i32
    %and3A = arith.andi %eq3A_0, %eq3A_2 : i1
    %convert_element_type3A = arith.extui %and3A : i1 to i32
    %cond3A = arith.constant 0 : i32
    %cond3A_3 = arith.cmpi ne, %convert_element_type3A, %cond3A : i32
    scf.if %cond3A_3 {
      %dma_start3A = arith.constant 0 : i32
      %dma_start3A_4 = tpu.memref_slice %arg5[%dma_start3A] : memref<2080xi32, #tpu.memory_space<vmem>> -> memref<112xi32, #tpu.memory_space<vmem>>
      %dma_start3A_5 = arith.constant 0 : i32
      %dma_start3A_6 = tpu.memref_slice %arg2[%dma_start3A_5] : memref<2080xi32, #tpu.memory_space<hbm>> -> memref<112xi32, #tpu.memory_space<hbm>>
      %dma_start3A_7 = arith.constant 0 : i32
      %dma_start3A_8 = tpu.memref_slice %arg5[%dma_start3A_7] : memref<2080xi32, #tpu.memory_space<vmem>> -> memref<112xi32, #tpu.memory_space<vmem>>
      %dma_start3A_9 = arith.constant 0 : i32
      %dma_start3A_10 = tpu.memref_slice %arg2[%dma_start3A_9] : memref<2080xi32, #tpu.memory_space<hbm>> -> memref<112xi32, #tpu.memory_space<hbm>>
      tpu.enqueue_dma source(%dma_start3A_10 : memref<112xi32, #tpu.memory_space<hbm>>) target(%dma_start3A_8 : memref<112xi32, #tpu.memory_space<vmem>>) target_semaphore(%arg8 : memref<!tpu.dma_semaphore, #tpu.memory_space<semaphore_mem>>)
      %dma_start3A_11 = arith.constant 112 : i32
      %dma_start3A_12 = tpu.memref_slice %arg5[%dma_start3A_11] : memref<2080xi32, #tpu.memory_space<vmem>> -> memref<1968xi32, #tpu.memory_space<vmem>>
      %dma_start3A_13 = arith.constant 112 : i32
      %dma_start3A_14 = tpu.memref_slice %arg2[%dma_start3A_13] : memref<2080xi32, #tpu.memory_space<hbm>> -> memref<1968xi32, #tpu.memory_space<hbm>>
      %dma_start3A_15 = arith.constant 112 : i32
      %dma_start3A_16 = tpu.memref_slice %arg5[%dma_start3A_15] : memref<2080xi32, #tpu.memory_space<vmem>> -> memref<1968xi32, #tpu.memory_space<vmem>>
      %dma_start3A_17 = arith.constant 112 : i32
      %dma_start3A_18 = tpu.memref_slice %arg2[%dma_start3A_17] : memref<2080xi32, #tpu.memory_space<hbm>> -> memref<1968xi32, #tpu.memory_space<hbm>>
      tpu.enqueue_dma source(%dma_start3A_18 : memref<1968xi32, #tpu.memory_space<hbm>>) target(%dma_start3A_16 : memref<1968xi32, #tpu.memory_space<vmem>>) target_semaphore(%arg8 : memref<!tpu.dma_semaphore, #tpu.memory_space<semaphore_mem>>)
      %dma_wait3A = arith.constant 0 : i32
      %dma_wait3A_19 = tpu.memref_slice %arg5[%dma_wait3A] : memref<2080xi32, #tpu.memory_space<vmem>> -> memref<112xi32, #tpu.memory_space<vmem>>
      %dma_wait3A_20 = arith.constant 0 : i32
      %dma_wait3A_21 = tpu.memref_slice %arg2[%dma_wait3A_20] : memref<2080xi32, #tpu.memory_space<hbm>> -> memref<112xi32, #tpu.memory_space<hbm>>
      %dma_wait3A_22 = arith.constant 0 : i32
      %dma_wait3A_23 = tpu.memref_slice %arg5[%dma_wait3A_22] : memref<2080xi32, #tpu.memory_space<vmem>> -> memref<112xi32, #tpu.memory_space<vmem>>
      %dma_wait3A_24 = arith.constant 0 : i32
      %dma_wait3A_25 = tpu.memref_slice %arg2[%dma_wait3A_24] : memref<2080xi32, #tpu.memory_space<hbm>> -> memref<112xi32, #tpu.memory_space<hbm>>
      tpu.wait_dma2 semaphore(%arg8 : memref<!tpu.dma_semaphore, #tpu.memory_space<semaphore_mem>>) src(%dma_wait3A_25 : memref<112xi32, #tpu.memory_space<hbm>>) dst(%dma_wait3A_23 : memref<112xi32, #tpu.memory_space<vmem>>)
      %dma_start3A_26 = arith.constant 0 : i32
      %dma_start3A_27 = tpu.memref_slice %arg5[%dma_start3A_26] : memref<2080xi32, #tpu.memory_space<vmem>> -> memref<112xi32, #tpu.memory_space<vmem>>
      %dma_start3A_28 = arith.constant 0 : i32
      %dma_start3A_29 = arith.constant 0 : i32
      %dma_start3A_30 = tpu.memref_slice %arg3[%dma_start3A_28, %dma_start3A_29] : memref<1001x32xf32, #tpu.memory_space<hbm>> -> memref<1001x32xf32, #tpu.memory_space<hbm>>
      tpu.enqueue_indirect_dma source(%dma_start3A_30 : memref<1001x32xf32, #tpu.memory_space<hbm>>) target(%arg6 : memref<112x32xf32, #tpu.memory_space<vmem>>) offsets(%dma_start3A_27 : memref<112xi32, #tpu.memory_space<vmem>>) semaphore(%arg9 : memref<!tpu.dma_semaphore, #tpu.memory_space<semaphore_mem>>)
      %dma_wait3A_31 = arith.constant 112 : i32
      %dma_wait3A_32 = tpu.memref_slice %arg5[%dma_wait3A_31] : memref<2080xi32, #tpu.memory_space<vmem>> -> memref<1968xi32, #tpu.memory_space<vmem>>
      %dma_wait3A_33 = arith.constant 112 : i32
      %dma_wait3A_34 = tpu.memref_slice %arg2[%dma_wait3A_33] : memref<2080xi32, #tpu.memory_space<hbm>> -> memref<1968xi32, #tpu.memory_space<hbm>>
      %dma_wait3A_35 = arith.constant 112 : i32
      %dma_wait3A_36 = tpu.memref_slice %arg5[%dma_wait3A_35] : memref<2080xi32, #tpu.memory_space<vmem>> -> memref<1968xi32, #tpu.memory_space<vmem>>
      %dma_wait3A_37 = arith.constant 112 : i32
      %dma_wait3A_38 = tpu.memref_slice %arg2[%dma_wait3A_37] : memref<2080xi32, #tpu.memory_space<hbm>> -> memref<1968xi32, #tpu.memory_space<hbm>>
      tpu.wait_dma2 semaphore(%arg8 : memref<!tpu.dma_semaphore, #tpu.memory_space<semaphore_mem>>) src(%dma_wait3A_38 : memref<1968xi32, #tpu.memory_space<hbm>>) dst(%dma_wait3A_36 : memref<1968xi32, #tpu.memory_space<vmem>>)
      %iota3A = tpu.iota {dimensions = array<i32: 0>} : vector<16xi32>
      %scan3A = arith.constant 0 : i32
      %scan3A_39 = arith.constant 0 : i32
      %scan3A_40 = arith.constant 62 : i32
      %scan3A_41 = arith.addi %scan3A_39, %scan3A_40 : i32
      %scan3A_42 = arith.constant 1 : i32
      scf.for %scan3A_930 = %scan3A_39 to %scan3A_41 step %scan3A_42  : i32 {
        %mul3A_931 = arith.constant 16 : i32
        %mul3A_932 = arith.muli %scan3A_930, %mul3A_931 : i32
        %add3A_933 = arith.constant 112 : i32
        %add3A_934 = arith.addi %add3A_933, %mul3A_932 : i32
        %get3A_935 = arith.index_cast %add3A_934 : i32 to index
        %get3A_936 = tpu.vector_load %arg5[%get3A_935] {strides = array<i32>} : memref<2080xi32, #tpu.memory_space<vmem>>, vector<16xi32>,
        %convert_element_type3A_937 = arith.sitofp %get3A_936 : vector<16xi32> to vector<16xf32>
        %mul3A_938 = arith.constant 16 : i32
        %mul3A_939 = arith.muli %scan3A_930, %mul3A_938 : i32
        %swap3A = arith.index_cast %mul3A_939 : i32 to index
        %swap3A_940 = tpu.vector_load %arg7[%swap3A] {strides = array<i32>} : memref<1312xf32, #tpu.memory_space<vmem>>, vector<16xf32>,
        tpu.vector_store %arg7[%swap3A], %convert_element_type3A_937 {strides = array<i32>} : memref<1312xf32, #tpu.memory_space<vmem>>, vector<16xf32>,
      }
      %scan3A_43 = arith.constant 62 : i32
      %add3A = arith.constant 992 : i32
      %add3A_44 = vector.broadcast %add3A : i32 to vector<16xi32>
      %add3A_45 = arith.addi %add3A_44, %iota3A : vector<16xi32>
      %get3A = arith.constant 1104 : index
      %get3A_46 = tpu.vector_load %arg5[%get3A] {strides = array<i32>} : memref<2080xi32, #tpu.memory_space<vmem>>, vector<16xi32>,
      %convert_element_type3A_47 = arith.sitofp %get3A_46 : vector<16xi32> to vector<16xf32>
      %lt3A = arith.constant 1001 : i32
      %lt3A_48 = vector.broadcast %lt3A : i32 to vector<16xi32>
      %lt3A_49 = arith.cmpi slt, %add3A_45, %lt3A_48 : vector<16xi32>
      tpu.vector_store_idx %arg7[%add3A_45], %convert_element_type3A_47 masked %lt3A_49 : memref<1312xf32, #tpu.memory_space<vmem>>[vector<16xi32>], vector<16xf32>, vector<16xi1>
      %add3A_50 = arith.constant 0 : i32
      %add3A_51 = vector.broadcast %add3A_50 : i32 to vector<16xi32>
      %add3A_52 = arith.addi %add3A_51, %iota3A : vector<16xi32>
      %jit3A = arith.constant 8 : i32
      %div3A = vector.broadcast %jit3A : i32 to vector<16xi32>
      %div3A_53 = arith.divsi %add3A_52, %div3A : vector<16xi32>
      %sign3A = arith.constant 0 : i32
      %sign3A_54 = vector.broadcast %sign3A : i32 to vector<16xi32>
      %sign3A_55 = arith.cmpi sgt, %add3A_52, %sign3A_54 : vector<16xi32>
      %sign3A_56 = arith.extui %sign3A_55 : vector<16xi1> to vector<16xi32>
      %sign3A_57 = arith.constant 0 : i32
      %sign3A_58 = vector.broadcast %sign3A_57 : i32 to vector<16xi32>
      %sign3A_59 = arith.cmpi slt, %add3A_52, %sign3A_58 : vector<16xi32>
      %sign3A_60 = arith.extui %sign3A_59 : vector<16xi1> to vector<16xi32>
      %sign3A_61 = arith.subi %sign3A_56, %sign3A_60 : vector<16xi32>
      %sign3A_62 = arith.constant 0 : i32
      %sign3A_63 = arith.cmpi sgt, %jit3A, %sign3A_62 : i32
      %sign3A_64 = arith.extui %sign3A_63 : i1 to i32
      %sign3A_65 = arith.constant 0 : i32
      %sign3A_66 = arith.cmpi slt, %jit3A, %sign3A_65 : i32
      %sign3A_67 = arith.extui %sign3A_66 : i1 to i32
      %sign3A_68 = arith.subi %sign3A_64, %sign3A_67 : i32
      %ne3A = vector.broadcast %sign3A_68 : i32 to vector<16xi32>
      %ne3A_69 = arith.cmpi ne, %sign3A_61, %ne3A : vector<16xi32>
      %rem3A = vector.broadcast %jit3A : i32 to vector<16xi32>
      %rem3A_70 = arith.remsi %add3A_52, %rem3A : vector<16xi32>
      %ne3A_71 = arith.constant 0 : i32
      %ne3A_72 = vector.broadcast %ne3A_71 : i32 to vector<16xi32>
      %ne3A_73 = arith.cmpi ne, %rem3A_70, %ne3A_72 : vector<16xi32>
      %and3A_74 = arith.andi %ne3A_69, %ne3A_73 : vector<16xi1>
      %sub3A = arith.constant 1 : i32
      %sub3A_75 = vector.broadcast %sub3A : i32 to vector<16xi32>
      %sub3A_76 = arith.subi %div3A_53, %sub3A_75 : vector<16xi32>
      %select_n3A = arith.select %and3A_74, %sub3A_76, %div3A_53 : vector<16xi1>, vector<16xi32>
      %add3A_77 = arith.constant 1120 : i32
      %add3A_78 = vector.broadcast %add3A_77 : i32 to vector<16xi32>
      %add3A_79 = arith.addi %add3A_78, %select_n3A : vector<16xi32>
      %gather3A = tpu.vector_load_idx %arg5[%add3A_79] : memref<2080xi32, #tpu.memory_space<vmem>>[vector<16xi32>], vector<16xi32>,
      %mul3A = arith.constant 8 : i32
      %mul3A_80 = vector.broadcast %mul3A : i32 to vector<16xi32>
      %mul3A_81 = arith.muli %gather3A, %mul3A_80 : vector<16xi32>
      %add3A_82 = arith.constant 1280 : i32
      %add3A_83 = vector.broadcast %add3A_82 : i32 to vector<16xi32>
      %add3A_84 = arith.addi %add3A_83, %mul3A_81 : vector<16xi32>
      %jit3A_85 = arith.constant 8 : i32
      %eq3A_86 = arith.constant 0 : i32
      %eq3A_87 = arith.cmpi eq, %jit3A_85, %eq3A_86 : i32
      %jit3A_88 = arith.constant 1 : i32
      %select_n3A_89 = arith.select %eq3A_87, %jit3A_88, %jit3A_85 : i32
      %rem3A_90 = vector.broadcast %select_n3A_89 : i32 to vector<16xi32>
      %rem3A_91 = arith.remsi %add3A_52, %rem3A_90 : vector<16xi32>
      %ne3A_92 = arith.constant 0 : i32
      %ne3A_93 = vector.broadcast %ne3A_92 : i32 to vector<16xi32>
      %ne3A_94 = arith.cmpi ne, %rem3A_91, %ne3A_93 : vector<16xi32>
      %lt3A_95 = arith.constant 0 : i32
      %lt3A_96 = vector.broadcast %lt3A_95 : i32 to vector<16xi32>
      %lt3A_97 = arith.cmpi slt, %rem3A_91, %lt3A_96 : vector<16xi32>
      %lt3A_98 = arith.constant 0 : i32
      %lt3A_99 = arith.cmpi slt, %select_n3A_89, %lt3A_98 : i32
      %ne3A_100 = vector.broadcast %lt3A_99 : i1 to vector<16xi1>
      %ne3A_101 = vector.broadcast %ne3A_100 : vector<16xi1> to vector<16xi1>
      %ne3A_102 = arith.xori %lt3A_97, %ne3A_101 : vector<16xi1>
      %and3A_103 = arith.andi %ne3A_102, %ne3A_94 : vector<16xi1>
      %add3A_104 = vector.broadcast %select_n3A_89 : i32 to vector<16xi32>
      %add3A_105 = arith.addi %rem3A_91, %add3A_104 : vector<16xi32>
      %select_n3A_106 = arith.select %and3A_103, %add3A_105, %rem3A_91 : vector<16xi1>, vector<16xi32>
      %add3A_107 = arith.addi %add3A_84, %select_n3A_106 : vector<16xi32>
      %gather3A_108 = tpu.vector_load_idx %arg5[%add3A_107] : memref<2080xi32, #tpu.memory_space<vmem>>[vector<16xi32>], vector<16xi32>,
      %add3A_109 = arith.constant 1033 : i32
      %add3A_110 = vector.broadcast %add3A_109 : i32 to vector<16xi32>
      %add3A_111 = arith.addi %add3A_110, %add3A_52 : vector<16xi32>
      %bitcast3A = vector.bitcast %gather3A_108 : vector<16xi32> to vector<16xf32>
      %lt3A_112 = arith.constant 40 : i32
      %lt3A_113 = vector.broadcast %lt3A_112 : i32 to vector<16xi32>
      %lt3A_114 = arith.cmpi slt, %add3A_52, %lt3A_113 : vector<16xi32>
      tpu.vector_store_idx %arg7[%add3A_111], %bitcast3A masked %lt3A_114 : memref<1312xf32, #tpu.memory_space<vmem>>[vector<16xi32>], vector<16xf32>, vector<16xi1>
      %add3A_115 = arith.constant 16 : i32
      %add3A_116 = vector.broadcast %add3A_115 : i32 to vector<16xi32>
      %add3A_117 = arith.addi %add3A_116, %iota3A : vector<16xi32>
      %jit3A_118 = arith.constant 8 : i32
      %div3A_119 = vector.broadcast %jit3A_118 : i32 to vector<16xi32>
      %div3A_120 = arith.divsi %add3A_117, %div3A_119 : vector<16xi32>
      %sign3A_121 = arith.constant 0 : i32
      %sign3A_122 = vector.broadcast %sign3A_121 : i32 to vector<16xi32>
      %sign3A_123 = arith.cmpi sgt, %add3A_117, %sign3A_122 : vector<16xi32>
      %sign3A_124 = arith.extui %sign3A_123 : vector<16xi1> to vector<16xi32>
      %sign3A_125 = arith.constant 0 : i32
      %sign3A_126 = vector.broadcast %sign3A_125 : i32 to vector<16xi32>
      %sign3A_127 = arith.cmpi slt, %add3A_117, %sign3A_126 : vector<16xi32>
      %sign3A_128 = arith.extui %sign3A_127 : vector<16xi1> to vector<16xi32>
      %sign3A_129 = arith.subi %sign3A_124, %sign3A_128 : vector<16xi32>
      %sign3A_130 = arith.constant 0 : i32
      %sign3A_131 = arith.cmpi sgt, %jit3A_118, %sign3A_130 : i32
      %sign3A_132 = arith.extui %sign3A_131 : i1 to i32
      %sign3A_133 = arith.constant 0 : i32
      %sign3A_134 = arith.cmpi slt, %jit3A_118, %sign3A_133 : i32
      %sign3A_135 = arith.extui %sign3A_134 : i1 to i32
      %sign3A_136 = arith.subi %sign3A_132, %sign3A_135 : i32
      %ne3A_137 = vector.broadcast %sign3A_136 : i32 to vector<16xi32>
      %ne3A_138 = arith.cmpi ne, %sign3A_129, %ne3A_137 : vector<16xi32>
      %rem3A_139 = vector.broadcast %jit3A_118 : i32 to vector<16xi32>
      %rem3A_140 = arith.remsi %add3A_117, %rem3A_139 : vector<16xi32>
      %ne3A_141 = arith.constant 0 : i32
      %ne3A_142 = vector.broadcast %ne3A_141 : i32 to vector<16xi32>
      %ne3A_143 = arith.cmpi ne, %rem3A_140, %ne3A_142 : vector<16xi32>
      %and3A_144 = arith.andi %ne3A_138, %ne3A_143 : vector<16xi1>
      %sub3A_145 = arith.constant 1 : i32
      %sub3A_146 = vector.broadcast %sub3A_145 : i32 to vector<16xi32>
      %sub3A_147 = arith.subi %div3A_120, %sub3A_146 : vector<16xi32>
      %select_n3A_148 = arith.select %and3A_144, %sub3A_147, %div3A_120 : vector<16xi1>, vector<16xi32>
      %add3A_149 = arith.constant 1120 : i32
      %add3A_150 = vector.broadcast %add3A_149 : i32 to vector<16xi32>
      %add3A_151 = arith.addi %add3A_150, %select_n3A_148 : vector<16xi32>
      %gather3A_152 = tpu.vector_load_idx %arg5[%add3A_151] : memref<2080xi32, #tpu.memory_space<vmem>>[vector<16xi32>], vector<16xi32>,
      %mul3A_153 = arith.constant 8 : i32
      %mul3A_154 = vector.broadcast %mul3A_153 : i32 to vector<16xi32>
      %mul3A_155 = arith.muli %gather3A_152, %mul3A_154 : vector<16xi32>
      %add3A_156 = arith.constant 1280 : i32
      %add3A_157 = vector.broadcast %add3A_156 : i32 to vector<16xi32>
      %add3A_158 = arith.addi %add3A_157, %mul3A_155 : vector<16xi32>
      %jit3A_159 = arith.constant 8 : i32
      %eq3A_160 = arith.constant 0 : i32
      %eq3A_161 = arith.cmpi eq, %jit3A_159, %eq3A_160 : i32
      %jit3A_162 = arith.constant 1 : i32
      %select_n3A_163 = arith.select %eq3A_161, %jit3A_162, %jit3A_159 : i32
      %rem3A_164 = vector.broadcast %select_n3A_163 : i32 to vector<16xi32>
      %rem3A_165 = arith.remsi %add3A_117, %rem3A_164 : vector<16xi32>
      %ne3A_166 = arith.constant 0 : i32
      %ne3A_167 = vector.broadcast %ne3A_166 : i32 to vector<16xi32>
      %ne3A_168 = arith.cmpi ne, %rem3A_165, %ne3A_167 : vector<16xi32>
      %lt3A_169 = arith.constant 0 : i32
      %lt3A_170 = vector.broadcast %lt3A_169 : i32 to vector<16xi32>
      %lt3A_171 = arith.cmpi slt, %rem3A_165, %lt3A_170 : vector<16xi32>
      %lt3A_172 = arith.constant 0 : i32
      %lt3A_173 = arith.cmpi slt, %select_n3A_163, %lt3A_172 : i32
      %ne3A_174 = vector.broadcast %lt3A_173 : i1 to vector<16xi1>
      %ne3A_175 = vector.broadcast %ne3A_174 : vector<16xi1> to vector<16xi1>
      %ne3A_176 = arith.xori %lt3A_171, %ne3A_175 : vector<16xi1>
      %and3A_177 = arith.andi %ne3A_176, %ne3A_168 : vector<16xi1>
      %add3A_178 = vector.broadcast %select_n3A_163 : i32 to vector<16xi32>
      %add3A_179 = arith.addi %rem3A_165, %add3A_178 : vector<16xi32>
      %select_n3A_180 = arith.select %and3A_177, %add3A_179, %rem3A_165 : vector<16xi1>, vector<16xi32>
      %add3A_181 = arith.addi %add3A_158, %select_n3A_180 : vector<16xi32>
      %gather3A_182 = tpu.vector_load_idx %arg5[%add3A_181] : memref<2080xi32, #tpu.memory_space<vmem>>[vector<16xi32>], vector<16xi32>,
      %add3A_183 = arith.constant 1033 : i32
      %add3A_184 = vector.broadcast %add3A_183 : i32 to vector<16xi32>
      %add3A_185 = arith.addi %add3A_184, %add3A_117 : vector<16xi32>
      %bitcast3A_186 = vector.bitcast %gather3A_182 : vector<16xi32> to vector<16xf32>
      %lt3A_187 = arith.constant 40 : i32
      %lt3A_188 = vector.broadcast %lt3A_187 : i32 to vector<16xi32>
      %lt3A_189 = arith.cmpi slt, %add3A_117, %lt3A_188 : vector<16xi32>
      tpu.vector_store_idx %arg7[%add3A_185], %bitcast3A_186 masked %lt3A_189 : memref<1312xf32, #tpu.memory_space<vmem>>[vector<16xi32>], vector<16xf32>, vector<16xi1>
      %add3A_190 = arith.constant 32 : i32
      %add3A_191 = vector.broadcast %add3A_190 : i32 to vector<16xi32>
      %add3A_192 = arith.addi %add3A_191, %iota3A : vector<16xi32>
      %jit3A_193 = arith.constant 8 : i32
      %div3A_194 = vector.broadcast %jit3A_193 : i32 to vector<16xi32>
      %div3A_195 = arith.divsi %add3A_192, %div3A_194 : vector<16xi32>
      %sign3A_196 = arith.constant 0 : i32
      %sign3A_197 = vector.broadcast %sign3A_196 : i32 to vector<16xi32>
      %sign3A_198 = arith.cmpi sgt, %add3A_192, %sign3A_197 : vector<16xi32>
      %sign3A_199 = arith.extui %sign3A_198 : vector<16xi1> to vector<16xi32>
      %sign3A_200 = arith.constant 0 : i32
      %sign3A_201 = vector.broadcast %sign3A_200 : i32 to vector<16xi32>
      %sign3A_202 = arith.cmpi slt, %add3A_192, %sign3A_201 : vector<16xi32>
      %sign3A_203 = arith.extui %sign3A_202 : vector<16xi1> to vector<16xi32>
      %sign3A_204 = arith.subi %sign3A_199, %sign3A_203 : vector<16xi32>
      %sign3A_205 = arith.constant 0 : i32
      %sign3A_206 = arith.cmpi sgt, %jit3A_193, %sign3A_205 : i32
      %sign3A_207 = arith.extui %sign3A_206 : i1 to i32
      %sign3A_208 = arith.constant 0 : i32
      %sign3A_209 = arith.cmpi slt, %jit3A_193, %sign3A_208 : i32
      %sign3A_210 = arith.extui %sign3A_209 : i1 to i32
      %sign3A_211 = arith.subi %sign3A_207, %sign3A_210 : i32
      %ne3A_212 = vector.broadcast %sign3A_211 : i32 to vector<16xi32>
      %ne3A_213 = arith.cmpi ne, %sign3A_204, %ne3A_212 : vector<16xi32>
      %rem3A_214 = vector.broadcast %jit3A_193 : i32 to vector<16xi32>
      %rem3A_215 = arith.remsi %add3A_192, %rem3A_214 : vector<16xi32>
      %ne3A_216 = arith.constant 0 : i32
      %ne3A_217 = vector.broadcast %ne3A_216 : i32 to vector<16xi32>
      %ne3A_218 = arith.cmpi ne, %rem3A_215, %ne3A_217 : vector<16xi32>
      %and3A_219 = arith.andi %ne3A_213, %ne3A_218 : vector<16xi1>
      %sub3A_220 = arith.constant 1 : i32
      %sub3A_221 = vector.broadcast %sub3A_220 : i32 to vector<16xi32>
      %sub3A_222 = arith.subi %div3A_195, %sub3A_221 : vector<16xi32>
      %select_n3A_223 = arith.select %and3A_219, %sub3A_222, %div3A_195 : vector<16xi1>, vector<16xi32>
      %add3A_224 = arith.constant 1120 : i32
      %add3A_225 = vector.broadcast %add3A_224 : i32 to vector<16xi32>
      %add3A_226 = arith.addi %add3A_225, %select_n3A_223 : vector<16xi32>
      %gather3A_227 = tpu.vector_load_idx %arg5[%add3A_226] : memref<2080xi32, #tpu.memory_space<vmem>>[vector<16xi32>], vector<16xi32>,
      %mul3A_228 = arith.constant 8 : i32
      %mul3A_229 = vector.broadcast %mul3A_228 : i32 to vector<16xi32>
      %mul3A_230 = arith.muli %gather3A_227, %mul3A_229 : vector<16xi32>
      %add3A_231 = arith.constant 1280 : i32
      %add3A_232 = vector.broadcast %add3A_231 : i32 to vector<16xi32>
      %add3A_233 = arith.addi %add3A_232, %mul3A_230 : vector<16xi32>
      %jit3A_234 = arith.constant 8 : i32
      %eq3A_235 = arith.constant 0 : i32
      %eq3A_236 = arith.cmpi eq, %jit3A_234, %eq3A_235 : i32
      %jit3A_237 = arith.constant 1 : i32
      %select_n3A_238 = arith.select %eq3A_236, %jit3A_237, %jit3A_234 : i32
      %rem3A_239 = vector.broadcast %select_n3A_238 : i32 to vector<16xi32>
      %rem3A_240 = arith.remsi %add3A_192, %rem3A_239 : vector<16xi32>
      %ne3A_241 = arith.constant 0 : i32
      %ne3A_242 = vector.broadcast %ne3A_241 : i32 to vector<16xi32>
      %ne3A_243 = arith.cmpi ne, %rem3A_240, %ne3A_242 : vector<16xi32>
      %lt3A_244 = arith.constant 0 : i32
      %lt3A_245 = vector.broadcast %lt3A_244 : i32 to vector<16xi32>
      %lt3A_246 = arith.cmpi slt, %rem3A_240, %lt3A_245 : vector<16xi32>
      %lt3A_247 = arith.constant 0 : i32
      %lt3A_248 = arith.cmpi slt, %select_n3A_238, %lt3A_247 : i32
      %ne3A_249 = vector.broadcast %lt3A_248 : i1 to vector<16xi1>
      %ne3A_250 = vector.broadcast %ne3A_249 : vector<16xi1> to vector<16xi1>
      %ne3A_251 = arith.xori %lt3A_246, %ne3A_250 : vector<16xi1>
      %and3A_252 = arith.andi %ne3A_251, %ne3A_243 : vector<16xi1>
      %add3A_253 = vector.broadcast %select_n3A_238 : i32 to vector<16xi32>
      %add3A_254 = arith.addi %rem3A_240, %add3A_253 : vector<16xi32>
      %select_n3A_255 = arith.select %and3A_252, %add3A_254, %rem3A_240 : vector<16xi1>, vector<16xi32>
      %add3A_256 = arith.addi %add3A_233, %select_n3A_255 : vector<16xi32>
      %gather3A_257 = tpu.vector_load_idx %arg5[%add3A_256] : memref<2080xi32, #tpu.memory_space<vmem>>[vector<16xi32>], vector<16xi32>,
      %add3A_258 = arith.constant 1033 : i32
      %add3A_259 = vector.broadcast %add3A_258 : i32 to vector<16xi32>
      %add3A_260 = arith.addi %add3A_259, %add3A_192 : vector<16xi32>
      %bitcast3A_261 = vector.bitcast %gather3A_257 : vector<16xi32> to vector<16xf32>
      %lt3A_262 = arith.constant 40 : i32
      %lt3A_263 = vector.broadcast %lt3A_262 : i32 to vector<16xi32>
      %lt3A_264 = arith.cmpi slt, %add3A_192, %lt3A_263 : vector<16xi32>
      tpu.vector_store_idx %arg7[%add3A_260], %bitcast3A_261 masked %lt3A_264 : memref<1312xf32, #tpu.memory_space<vmem>>[vector<16xi32>], vector<16xf32>, vector<16xi1>
      %add3A_265 = arith.constant 0 : i32
      %add3A_266 = vector.broadcast %add3A_265 : i32 to vector<16xi32>
      %add3A_267 = arith.addi %add3A_266, %iota3A : vector<16xi32>
      %jit3A_268 = arith.constant 6 : i32
      %div3A_269 = vector.broadcast %jit3A_268 : i32 to vector<16xi32>
      %div3A_270 = arith.divsi %add3A_267, %div3A_269 : vector<16xi32>
      %sign3A_271 = arith.constant 0 : i32
      %sign3A_272 = vector.broadcast %sign3A_271 : i32 to vector<16xi32>
      %sign3A_273 = arith.cmpi sgt, %add3A_267, %sign3A_272 : vector<16xi32>
      %sign3A_274 = arith.extui %sign3A_273 : vector<16xi1> to vector<16xi32>
      %sign3A_275 = arith.constant 0 : i32
      %sign3A_276 = vector.broadcast %sign3A_275 : i32 to vector<16xi32>
      %sign3A_277 = arith.cmpi slt, %add3A_267, %sign3A_276 : vector<16xi32>
      %sign3A_278 = arith.extui %sign3A_277 : vector<16xi1> to vector<16xi32>
      %sign3A_279 = arith.subi %sign3A_274, %sign3A_278 : vector<16xi32>
      %sign3A_280 = arith.constant 0 : i32
      %sign3A_281 = arith.cmpi sgt, %jit3A_268, %sign3A_280 : i32
      %sign3A_282 = arith.extui %sign3A_281 : i1 to i32
      %sign3A_283 = arith.constant 0 : i32
      %sign3A_284 = arith.cmpi slt, %jit3A_268, %sign3A_283 : i32
      %sign3A_285 = arith.extui %sign3A_284 : i1 to i32
      %sign3A_286 = arith.subi %sign3A_282, %sign3A_285 : i32
      %ne3A_287 = vector.broadcast %sign3A_286 : i32 to vector<16xi32>
      %ne3A_288 = arith.cmpi ne, %sign3A_279, %ne3A_287 : vector<16xi32>
      %rem3A_289 = vector.broadcast %jit3A_268 : i32 to vector<16xi32>
      %rem3A_290 = arith.remsi %add3A_267, %rem3A_289 : vector<16xi32>
      %ne3A_291 = arith.constant 0 : i32
      %ne3A_292 = vector.broadcast %ne3A_291 : i32 to vector<16xi32>
      %ne3A_293 = arith.cmpi ne, %rem3A_290, %ne3A_292 : vector<16xi32>
      %and3A_294 = arith.andi %ne3A_288, %ne3A_293 : vector<16xi1>
      %sub3A_295 = arith.constant 1 : i32
      %sub3A_296 = vector.broadcast %sub3A_295 : i32 to vector<16xi32>
      %sub3A_297 = arith.subi %div3A_270, %sub3A_296 : vector<16xi32>
      %select_n3A_298 = arith.select %and3A_294, %sub3A_297, %div3A_270 : vector<16xi1>, vector<16xi32>
      %add3A_299 = arith.constant 1136 : i32
      %add3A_300 = vector.broadcast %add3A_299 : i32 to vector<16xi32>
      %add3A_301 = arith.addi %add3A_300, %select_n3A_298 : vector<16xi32>
      %gather3A_302 = tpu.vector_load_idx %arg5[%add3A_301] : memref<2080xi32, #tpu.memory_space<vmem>>[vector<16xi32>], vector<16xi32>,
      %mul3A_303 = arith.constant 6 : i32
      %mul3A_304 = vector.broadcast %mul3A_303 : i32 to vector<16xi32>
      %mul3A_305 = arith.muli %gather3A_302, %mul3A_304 : vector<16xi32>
      %add3A_306 = arith.constant 1696 : i32
      %add3A_307 = vector.broadcast %add3A_306 : i32 to vector<16xi32>
      %add3A_308 = arith.addi %add3A_307, %mul3A_305 : vector<16xi32>
      %jit3A_309 = arith.constant 6 : i32
      %eq3A_310 = arith.constant 0 : i32
      %eq3A_311 = arith.cmpi eq, %jit3A_309, %eq3A_310 : i32
      %jit3A_312 = arith.constant 1 : i32
      %select_n3A_313 = arith.select %eq3A_311, %jit3A_312, %jit3A_309 : i32
      %rem3A_314 = vector.broadcast %select_n3A_313 : i32 to vector<16xi32>
      %rem3A_315 = arith.remsi %add3A_267, %rem3A_314 : vector<16xi32>
      %ne3A_316 = arith.constant 0 : i32
      %ne3A_317 = vector.broadcast %ne3A_316 : i32 to vector<16xi32>
      %ne3A_318 = arith.cmpi ne, %rem3A_315, %ne3A_317 : vector<16xi32>
      %lt3A_319 = arith.constant 0 : i32
      %lt3A_320 = vector.broadcast %lt3A_319 : i32 to vector<16xi32>
      %lt3A_321 = arith.cmpi slt, %rem3A_315, %lt3A_320 : vector<16xi32>
      %lt3A_322 = arith.constant 0 : i32
      %lt3A_323 = arith.cmpi slt, %select_n3A_313, %lt3A_322 : i32
      %ne3A_324 = vector.broadcast %lt3A_323 : i1 to vector<16xi1>
      %ne3A_325 = vector.broadcast %ne3A_324 : vector<16xi1> to vector<16xi1>
      %ne3A_326 = arith.xori %lt3A_321, %ne3A_325 : vector<16xi1>
      %and3A_327 = arith.andi %ne3A_326, %ne3A_318 : vector<16xi1>
      %add3A_328 = vector.broadcast %select_n3A_313 : i32 to vector<16xi32>
      %add3A_329 = arith.addi %rem3A_315, %add3A_328 : vector<16xi32>
      %select_n3A_330 = arith.select %and3A_327, %add3A_329, %rem3A_315 : vector<16xi1>, vector<16xi32>
      %add3A_331 = arith.addi %add3A_308, %select_n3A_330 : vector<16xi32>
      %gather3A_332 = tpu.vector_load_idx %arg5[%add3A_331] : memref<2080xi32, #tpu.memory_space<vmem>>[vector<16xi32>], vector<16xi32>,
      %add3A_333 = arith.constant 1073 : i32
      %add3A_334 = vector.broadcast %add3A_333 : i32 to vector<16xi32>
      %add3A_335 = arith.addi %add3A_334, %add3A_267 : vector<16xi32>
      %bitcast3A_336 = vector.bitcast %gather3A_332 : vector<16xi32> to vector<16xf32>
      %lt3A_337 = arith.constant 90 : i32
      %lt3A_338 = vector.broadcast %lt3A_337 : i32 to vector<16xi32>
      %lt3A_339 = arith.cmpi slt, %add3A_267, %lt3A_338 : vector<16xi32>
      tpu.vector_store_idx %arg7[%add3A_335], %bitcast3A_336 masked %lt3A_339 : memref<1312xf32, #tpu.memory_space<vmem>>[vector<16xi32>], vector<16xf32>, vector<16xi1>
      %add3A_340 = arith.constant 16 : i32
      %add3A_341 = vector.broadcast %add3A_340 : i32 to vector<16xi32>
      %add3A_342 = arith.addi %add3A_341, %iota3A : vector<16xi32>
      %jit3A_343 = arith.constant 6 : i32
      %div3A_344 = vector.broadcast %jit3A_343 : i32 to vector<16xi32>
      %div3A_345 = arith.divsi %add3A_342, %div3A_344 : vector<16xi32>
      %sign3A_346 = arith.constant 0 : i32
      %sign3A_347 = vector.broadcast %sign3A_346 : i32 to vector<16xi32>
      %sign3A_348 = arith.cmpi sgt, %add3A_342, %sign3A_347 : vector<16xi32>
      %sign3A_349 = arith.extui %sign3A_348 : vector<16xi1> to vector<16xi32>
      %sign3A_350 = arith.constant 0 : i32
      %sign3A_351 = vector.broadcast %sign3A_350 : i32 to vector<16xi32>
      %sign3A_352 = arith.cmpi slt, %add3A_342, %sign3A_351 : vector<16xi32>
      %sign3A_353 = arith.extui %sign3A_352 : vector<16xi1> to vector<16xi32>
      %sign3A_354 = arith.subi %sign3A_349, %sign3A_353 : vector<16xi32>
      %sign3A_355 = arith.constant 0 : i32
      %sign3A_356 = arith.cmpi sgt, %jit3A_343, %sign3A_355 : i32
      %sign3A_357 = arith.extui %sign3A_356 : i1 to i32
      %sign3A_358 = arith.constant 0 : i32
      %sign3A_359 = arith.cmpi slt, %jit3A_343, %sign3A_358 : i32
      %sign3A_360 = arith.extui %sign3A_359 : i1 to i32
      %sign3A_361 = arith.subi %sign3A_357, %sign3A_360 : i32
      %ne3A_362 = vector.broadcast %sign3A_361 : i32 to vector<16xi32>
      %ne3A_363 = arith.cmpi ne, %sign3A_354, %ne3A_362 : vector<16xi32>
      %rem3A_364 = vector.broadcast %jit3A_343 : i32 to vector<16xi32>
      %rem3A_365 = arith.remsi %add3A_342, %rem3A_364 : vector<16xi32>
      %ne3A_366 = arith.constant 0 : i32
      %ne3A_367 = vector.broadcast %ne3A_366 : i32 to vector<16xi32>
      %ne3A_368 = arith.cmpi ne, %rem3A_365, %ne3A_367 : vector<16xi32>
      %and3A_369 = arith.andi %ne3A_363, %ne3A_368 : vector<16xi1>
      %sub3A_370 = arith.constant 1 : i32
      %sub3A_371 = vector.broadcast %sub3A_370 : i32 to vector<16xi32>
      %sub3A_372 = arith.subi %div3A_345, %sub3A_371 : vector<16xi32>
      %select_n3A_373 = arith.select %and3A_369, %sub3A_372, %div3A_345 : vector<16xi1>, vector<16xi32>
      %add3A_374 = arith.constant 1136 : i32
      %add3A_375 = vector.broadcast %add3A_374 : i32 to vector<16xi32>
      %add3A_376 = arith.addi %add3A_375, %select_n3A_373 : vector<16xi32>
      %gather3A_377 = tpu.vector_load_idx %arg5[%add3A_376] : memref<2080xi32, #tpu.memory_space<vmem>>[vector<16xi32>], vector<16xi32>,
      %mul3A_378 = arith.constant 6 : i32
      %mul3A_379 = vector.broadcast %mul3A_378 : i32 to vector<16xi32>
      %mul3A_380 = arith.muli %gather3A_377, %mul3A_379 : vector<16xi32>
      %add3A_381 = arith.constant 1696 : i32
      %add3A_382 = vector.broadcast %add3A_381 : i32 to vector<16xi32>
      %add3A_383 = arith.addi %add3A_382, %mul3A_380 : vector<16xi32>
      %jit3A_384 = arith.constant 6 : i32
      %eq3A_385 = arith.constant 0 : i32
      %eq3A_386 = arith.cmpi eq, %jit3A_384, %eq3A_385 : i32
      %jit3A_387 = arith.constant 1 : i32
      %select_n3A_388 = arith.select %eq3A_386, %jit3A_387, %jit3A_384 : i32
      %rem3A_389 = vector.broadcast %select_n3A_388 : i32 to vector<16xi32>
      %rem3A_390 = arith.remsi %add3A_342, %rem3A_389 : vector<16xi32>
      %ne3A_391 = arith.constant 0 : i32
      %ne3A_392 = vector.broadcast %ne3A_391 : i32 to vector<16xi32>
      %ne3A_393 = arith.cmpi ne, %rem3A_390, %ne3A_392 : vector<16xi32>
      %lt3A_394 = arith.constant 0 : i32
      %lt3A_395 = vector.broadcast %lt3A_394 : i32 to vector<16xi32>
      %lt3A_396 = arith.cmpi slt, %rem3A_390, %lt3A_395 : vector<16xi32>
      %lt3A_397 = arith.constant 0 : i32
      %lt3A_398 = arith.cmpi slt, %select_n3A_388, %lt3A_397 : i32
      %ne3A_399 = vector.broadcast %lt3A_398 : i1 to vector<16xi1>
      %ne3A_400 = vector.broadcast %ne3A_399 : vector<16xi1> to vector<16xi1>
      %ne3A_401 = arith.xori %lt3A_396, %ne3A_400 : vector<16xi1>
      %and3A_402 = arith.andi %ne3A_401, %ne3A_393 : vector<16xi1>
      %add3A_403 = vector.broadcast %select_n3A_388 : i32 to vector<16xi32>
      %add3A_404 = arith.addi %rem3A_390, %add3A_403 : vector<16xi32>
      %select_n3A_405 = arith.select %and3A_402, %add3A_404, %rem3A_390 : vector<16xi1>, vector<16xi32>
      %add3A_406 = arith.addi %add3A_383, %select_n3A_405 : vector<16xi32>
      %gather3A_407 = tpu.vector_load_idx %arg5[%add3A_406] : memref<2080xi32, #tpu.memory_space<vmem>>[vector<16xi32>], vector<16xi32>,
      %add3A_408 = arith.constant 1073 : i32
      %add3A_409 = vector.broadcast %add3A_408 : i32 to vector<16xi32>
      %add3A_410 = arith.addi %add3A_409, %add3A_342 : vector<16xi32>
      %bitcast3A_411 = vector.bitcast %gather3A_407 : vector<16xi32> to vector<16xf32>
      %lt3A_412 = arith.constant 90 : i32
      %lt3A_413 = vector.broadcast %lt3A_412 : i32 to vector<16xi32>
      %lt3A_414 = arith.cmpi slt, %add3A_342, %lt3A_413 : vector<16xi32>
      tpu.vector_store_idx %arg7[%add3A_410], %bitcast3A_411 masked %lt3A_414 : memref<1312xf32, #tpu.memory_space<vmem>>[vector<16xi32>], vector<16xf32>, vector<16xi1>
      %add3A_415 = arith.constant 32 : i32
      %add3A_416 = vector.broadcast %add3A_415 : i32 to vector<16xi32>
      %add3A_417 = arith.addi %add3A_416, %iota3A : vector<16xi32>
      %jit3A_418 = arith.constant 6 : i32
      %div3A_419 = vector.broadcast %jit3A_418 : i32 to vector<16xi32>
      %div3A_420 = arith.divsi %add3A_417, %div3A_419 : vector<16xi32>
      %sign3A_421 = arith.constant 0 : i32
      %sign3A_422 = vector.broadcast %sign3A_421 : i32 to vector<16xi32>
      %sign3A_423 = arith.cmpi sgt, %add3A_417, %sign3A_422 : vector<16xi32>
      %sign3A_424 = arith.extui %sign3A_423 : vector<16xi1> to vector<16xi32>
      %sign3A_425 = arith.constant 0 : i32
      %sign3A_426 = vector.broadcast %sign3A_425 : i32 to vector<16xi32>
      %sign3A_427 = arith.cmpi slt, %add3A_417, %sign3A_426 : vector<16xi32>
      %sign3A_428 = arith.extui %sign3A_427 : vector<16xi1> to vector<16xi32>
      %sign3A_429 = arith.subi %sign3A_424, %sign3A_428 : vector<16xi32>
      %sign3A_430 = arith.constant 0 : i32
      %sign3A_431 = arith.cmpi sgt, %jit3A_418, %sign3A_430 : i32
      %sign3A_432 = arith.extui %sign3A_431 : i1 to i32
      %sign3A_433 = arith.constant 0 : i32
      %sign3A_434 = arith.cmpi slt, %jit3A_418, %sign3A_433 : i32
      %sign3A_435 = arith.extui %sign3A_434 : i1 to i32
      %sign3A_436 = arith.subi %sign3A_432, %sign3A_435 : i32
      %ne3A_437 = vector.broadcast %sign3A_436 : i32 to vector<16xi32>
      %ne3A_438 = arith.cmpi ne, %sign3A_429, %ne3A_437 : vector<16xi32>
      %rem3A_439 = vector.broadcast %jit3A_418 : i32 to vector<16xi32>
      %rem3A_440 = arith.remsi %add3A_417, %rem3A_439 : vector<16xi32>
      %ne3A_441 = arith.constant 0 : i32
      %ne3A_442 = vector.broadcast %ne3A_441 : i32 to vector<16xi32>
      %ne3A_443 = arith.cmpi ne, %rem3A_440, %ne3A_442 : vector<16xi32>
      %and3A_444 = arith.andi %ne3A_438, %ne3A_443 : vector<16xi1>
      %sub3A_445 = arith.constant 1 : i32
      %sub3A_446 = vector.broadcast %sub3A_445 : i32 to vector<16xi32>
      %sub3A_447 = arith.subi %div3A_420, %sub3A_446 : vector<16xi32>
      %select_n3A_448 = arith.select %and3A_444, %sub3A_447, %div3A_420 : vector<16xi1>, vector<16xi32>
      %add3A_449 = arith.constant 1136 : i32
      %add3A_450 = vector.broadcast %add3A_449 : i32 to vector<16xi32>
      %add3A_451 = arith.addi %add3A_450, %select_n3A_448 : vector<16xi32>
      %gather3A_452 = tpu.vector_load_idx %arg5[%add3A_451] : memref<2080xi32, #tpu.memory_space<vmem>>[vector<16xi32>], vector<16xi32>,
      %mul3A_453 = arith.constant 6 : i32
      %mul3A_454 = vector.broadcast %mul3A_453 : i32 to vector<16xi32>
      %mul3A_455 = arith.muli %gather3A_452, %mul3A_454 : vector<16xi32>
      %add3A_456 = arith.constant 1696 : i32
      %add3A_457 = vector.broadcast %add3A_456 : i32 to vector<16xi32>
      %add3A_458 = arith.addi %add3A_457, %mul3A_455 : vector<16xi32>
      %jit3A_459 = arith.constant 6 : i32
      %eq3A_460 = arith.constant 0 : i32
      %eq3A_461 = arith.cmpi eq, %jit3A_459, %eq3A_460 : i32
      %jit3A_462 = arith.constant 1 : i32
      %select_n3A_463 = arith.select %eq3A_461, %jit3A_462, %jit3A_459 : i32
      %rem3A_464 = vector.broadcast %select_n3A_463 : i32 to vector<16xi32>
      %rem3A_465 = arith.remsi %add3A_417, %rem3A_464 : vector<16xi32>
      %ne3A_466 = arith.constant 0 : i32
      %ne3A_467 = vector.broadcast %ne3A_466 : i32 to vector<16xi32>
      %ne3A_468 = arith.cmpi ne, %rem3A_465, %ne3A_467 : vector<16xi32>
      %lt3A_469 = arith.constant 0 : i32
      %lt3A_470 = vector.broadcast %lt3A_469 : i32 to vector<16xi32>
      %lt3A_471 = arith.cmpi slt, %rem3A_465, %lt3A_470 : vector<16xi32>
      %lt3A_472 = arith.constant 0 : i32
      %lt3A_473 = arith.cmpi slt, %select_n3A_463, %lt3A_472 : i32
      %ne3A_474 = vector.broadcast %lt3A_473 : i1 to vector<16xi1>
      %ne3A_475 = vector.broadcast %ne3A_474 : vector<16xi1> to vector<16xi1>
      %ne3A_476 = arith.xori %lt3A_471, %ne3A_475 : vector<16xi1>
      %and3A_477 = arith.andi %ne3A_476, %ne3A_468 : vector<16xi1>
      %add3A_478 = vector.broadcast %select_n3A_463 : i32 to vector<16xi32>
      %add3A_479 = arith.addi %rem3A_465, %add3A_478 : vector<16xi32>
      %select_n3A_480 = arith.select %and3A_477, %add3A_479, %rem3A_465 : vector<16xi1>, vector<16xi32>
      %add3A_481 = arith.addi %add3A_458, %select_n3A_480 : vector<16xi32>
      %gather3A_482 = tpu.vector_load_idx %arg5[%add3A_481] : memref<2080xi32, #tpu.memory_space<vmem>>[vector<16xi32>], vector<16xi32>,
      %add3A_483 = arith.constant 1073 : i32
      %add3A_484 = vector.broadcast %add3A_483 : i32 to vector<16xi32>
      %add3A_485 = arith.addi %add3A_484, %add3A_417 : vector<16xi32>
      %bitcast3A_486 = vector.bitcast %gather3A_482 : vector<16xi32> to vector<16xf32>
      %lt3A_487 = arith.constant 90 : i32
      %lt3A_488 = vector.broadcast %lt3A_487 : i32 to vector<16xi32>
      %lt3A_489 = arith.cmpi slt, %add3A_417, %lt3A_488 : vector<16xi32>
      tpu.vector_store_idx %arg7[%add3A_485], %bitcast3A_486 masked %lt3A_489 : memref<1312xf32, #tpu.memory_space<vmem>>[vector<16xi32>], vector<16xf32>, vector<16xi1>
      %add3A_490 = arith.constant 48 : i32
      %add3A_491 = vector.broadcast %add3A_490 : i32 to vector<16xi32>
      %add3A_492 = arith.addi %add3A_491, %iota3A : vector<16xi32>
      %jit3A_493 = arith.constant 6 : i32
      %div3A_494 = vector.broadcast %jit3A_493 : i32 to vector<16xi32>
      %div3A_495 = arith.divsi %add3A_492, %div3A_494 : vector<16xi32>
      %sign3A_496 = arith.constant 0 : i32
      %sign3A_497 = vector.broadcast %sign3A_496 : i32 to vector<16xi32>
      %sign3A_498 = arith.cmpi sgt, %add3A_492, %sign3A_497 : vector<16xi32>
      %sign3A_499 = arith.extui %sign3A_498 : vector<16xi1> to vector<16xi32>
      %sign3A_500 = arith.constant 0 : i32
      %sign3A_501 = vector.broadcast %sign3A_500 : i32 to vector<16xi32>
      %sign3A_502 = arith.cmpi slt, %add3A_492, %sign3A_501 : vector<16xi32>
      %sign3A_503 = arith.extui %sign3A_502 : vector<16xi1> to vector<16xi32>
      %sign3A_504 = arith.subi %sign3A_499, %sign3A_503 : vector<16xi32>
      %sign3A_505 = arith.constant 0 : i32
      %sign3A_506 = arith.cmpi sgt, %jit3A_493, %sign3A_505 : i32
      %sign3A_507 = arith.extui %sign3A_506 : i1 to i32
      %sign3A_508 = arith.constant 0 : i32
      %sign3A_509 = arith.cmpi slt, %jit3A_493, %sign3A_508 : i32
      %sign3A_510 = arith.extui %sign3A_509 : i1 to i32
      %sign3A_511 = arith.subi %sign3A_507, %sign3A_510 : i32
      %ne3A_512 = vector.broadcast %sign3A_511 : i32 to vector<16xi32>
      %ne3A_513 = arith.cmpi ne, %sign3A_504, %ne3A_512 : vector<16xi32>
      %rem3A_514 = vector.broadcast %jit3A_493 : i32 to vector<16xi32>
      %rem3A_515 = arith.remsi %add3A_492, %rem3A_514 : vector<16xi32>
      %ne3A_516 = arith.constant 0 : i32
      %ne3A_517 = vector.broadcast %ne3A_516 : i32 to vector<16xi32>
      %ne3A_518 = arith.cmpi ne, %rem3A_515, %ne3A_517 : vector<16xi32>
      %and3A_519 = arith.andi %ne3A_513, %ne3A_518 : vector<16xi1>
      %sub3A_520 = arith.constant 1 : i32
      %sub3A_521 = vector.broadcast %sub3A_520 : i32 to vector<16xi32>
      %sub3A_522 = arith.subi %div3A_495, %sub3A_521 : vector<16xi32>
      %select_n3A_523 = arith.select %and3A_519, %sub3A_522, %div3A_495 : vector<16xi1>, vector<16xi32>
      %add3A_524 = arith.constant 1136 : i32
      %add3A_525 = vector.broadcast %add3A_524 : i32 to vector<16xi32>
      %add3A_526 = arith.addi %add3A_525, %select_n3A_523 : vector<16xi32>
      %gather3A_527 = tpu.vector_load_idx %arg5[%add3A_526] : memref<2080xi32, #tpu.memory_space<vmem>>[vector<16xi32>], vector<16xi32>,
      %mul3A_528 = arith.constant 6 : i32
      %mul3A_529 = vector.broadcast %mul3A_528 : i32 to vector<16xi32>
      %mul3A_530 = arith.muli %gather3A_527, %mul3A_529 : vector<16xi32>
      %add3A_531 = arith.constant 1696 : i32
      %add3A_532 = vector.broadcast %add3A_531 : i32 to vector<16xi32>
      %add3A_533 = arith.addi %add3A_532, %mul3A_530 : vector<16xi32>
      %jit3A_534 = arith.constant 6 : i32
      %eq3A_535 = arith.constant 0 : i32
      %eq3A_536 = arith.cmpi eq, %jit3A_534, %eq3A_535 : i32
      %jit3A_537 = arith.constant 1 : i32
      %select_n3A_538 = arith.select %eq3A_536, %jit3A_537, %jit3A_534 : i32
      %rem3A_539 = vector.broadcast %select_n3A_538 : i32 to vector<16xi32>
      %rem3A_540 = arith.remsi %add3A_492, %rem3A_539 : vector<16xi32>
      %ne3A_541 = arith.constant 0 : i32
      %ne3A_542 = vector.broadcast %ne3A_541 : i32 to vector<16xi32>
      %ne3A_543 = arith.cmpi ne, %rem3A_540, %ne3A_542 : vector<16xi32>
      %lt3A_544 = arith.constant 0 : i32
      %lt3A_545 = vector.broadcast %lt3A_544 : i32 to vector<16xi32>
      %lt3A_546 = arith.cmpi slt, %rem3A_540, %lt3A_545 : vector<16xi32>
      %lt3A_547 = arith.constant 0 : i32
      %lt3A_548 = arith.cmpi slt, %select_n3A_538, %lt3A_547 : i32
      %ne3A_549 = vector.broadcast %lt3A_548 : i1 to vector<16xi1>
      %ne3A_550 = vector.broadcast %ne3A_549 : vector<16xi1> to vector<16xi1>
      %ne3A_551 = arith.xori %lt3A_546, %ne3A_550 : vector<16xi1>
      %and3A_552 = arith.andi %ne3A_551, %ne3A_543 : vector<16xi1>
      %add3A_553 = vector.broadcast %select_n3A_538 : i32 to vector<16xi32>
      %add3A_554 = arith.addi %rem3A_540, %add3A_553 : vector<16xi32>
      %select_n3A_555 = arith.select %and3A_552, %add3A_554, %rem3A_540 : vector<16xi1>, vector<16xi32>
      %add3A_556 = arith.addi %add3A_533, %select_n3A_555 : vector<16xi32>
      %gather3A_557 = tpu.vector_load_idx %arg5[%add3A_556] : memref<2080xi32, #tpu.memory_space<vmem>>[vector<16xi32>], vector<16xi32>,
      %add3A_558 = arith.constant 1073 : i32
      %add3A_559 = vector.broadcast %add3A_558 : i32 to vector<16xi32>
      %add3A_560 = arith.addi %add3A_559, %add3A_492 : vector<16xi32>
      %bitcast3A_561 = vector.bitcast %gather3A_557 : vector<16xi32> to vector<16xf32>
      %lt3A_562 = arith.constant 90 : i32
      %lt3A_563 = vector.broadcast %lt3A_562 : i32 to vector<16xi32>
      %lt3A_564 = arith.cmpi slt, %add3A_492, %lt3A_563 : vector<16xi32>
      tpu.vector_store_idx %arg7[%add3A_560], %bitcast3A_561 masked %lt3A_564 : memref<1312xf32, #tpu.memory_space<vmem>>[vector<16xi32>], vector<16xf32>, vector<16xi1>
      %add3A_565 = arith.constant 64 : i32
      %add3A_566 = vector.broadcast %add3A_565 : i32 to vector<16xi32>
      %add3A_567 = arith.addi %add3A_566, %iota3A : vector<16xi32>
      %jit3A_568 = arith.constant 6 : i32
      %div3A_569 = vector.broadcast %jit3A_568 : i32 to vector<16xi32>
      %div3A_570 = arith.divsi %add3A_567, %div3A_569 : vector<16xi32>
      %sign3A_571 = arith.constant 0 : i32
      %sign3A_572 = vector.broadcast %sign3A_571 : i32 to vector<16xi32>
      %sign3A_573 = arith.cmpi sgt, %add3A_567, %sign3A_572 : vector<16xi32>
      %sign3A_574 = arith.extui %sign3A_573 : vector<16xi1> to vector<16xi32>
      %sign3A_575 = arith.constant 0 : i32
      %sign3A_576 = vector.broadcast %sign3A_575 : i32 to vector<16xi32>
      %sign3A_577 = arith.cmpi slt, %add3A_567, %sign3A_576 : vector<16xi32>
      %sign3A_578 = arith.extui %sign3A_577 : vector<16xi1> to vector<16xi32>
      %sign3A_579 = arith.subi %sign3A_574, %sign3A_578 : vector<16xi32>
      %sign3A_580 = arith.constant 0 : i32
      %sign3A_581 = arith.cmpi sgt, %jit3A_568, %sign3A_580 : i32
      %sign3A_582 = arith.extui %sign3A_581 : i1 to i32
      %sign3A_583 = arith.constant 0 : i32
      %sign3A_584 = arith.cmpi slt, %jit3A_568, %sign3A_583 : i32
      %sign3A_585 = arith.extui %sign3A_584 : i1 to i32
      %sign3A_586 = arith.subi %sign3A_582, %sign3A_585 : i32
      %ne3A_587 = vector.broadcast %sign3A_586 : i32 to vector<16xi32>
      %ne3A_588 = arith.cmpi ne, %sign3A_579, %ne3A_587 : vector<16xi32>
      %rem3A_589 = vector.broadcast %jit3A_568 : i32 to vector<16xi32>
      %rem3A_590 = arith.remsi %add3A_567, %rem3A_589 : vector<16xi32>
      %ne3A_591 = arith.constant 0 : i32
      %ne3A_592 = vector.broadcast %ne3A_591 : i32 to vector<16xi32>
      %ne3A_593 = arith.cmpi ne, %rem3A_590, %ne3A_592 : vector<16xi32>
      %and3A_594 = arith.andi %ne3A_588, %ne3A_593 : vector<16xi1>
      %sub3A_595 = arith.constant 1 : i32
      %sub3A_596 = vector.broadcast %sub3A_595 : i32 to vector<16xi32>
      %sub3A_597 = arith.subi %div3A_570, %sub3A_596 : vector<16xi32>
      %select_n3A_598 = arith.select %and3A_594, %sub3A_597, %div3A_570 : vector<16xi1>, vector<16xi32>
      %add3A_599 = arith.constant 1136 : i32
      %add3A_600 = vector.broadcast %add3A_599 : i32 to vector<16xi32>
      %add3A_601 = arith.addi %add3A_600, %select_n3A_598 : vector<16xi32>
      %gather3A_602 = tpu.vector_load_idx %arg5[%add3A_601] : memref<2080xi32, #tpu.memory_space<vmem>>[vector<16xi32>], vector<16xi32>,
      %mul3A_603 = arith.constant 6 : i32
      %mul3A_604 = vector.broadcast %mul3A_603 : i32 to vector<16xi32>
      %mul3A_605 = arith.muli %gather3A_602, %mul3A_604 : vector<16xi32>
      %add3A_606 = arith.constant 1696 : i32
      %add3A_607 = vector.broadcast %add3A_606 : i32 to vector<16xi32>
      %add3A_608 = arith.addi %add3A_607, %mul3A_605 : vector<16xi32>
      %jit3A_609 = arith.constant 6 : i32
      %eq3A_610 = arith.constant 0 : i32
      %eq3A_611 = arith.cmpi eq, %jit3A_609, %eq3A_610 : i32
      %jit3A_612 = arith.constant 1 : i32
      %select_n3A_613 = arith.select %eq3A_611, %jit3A_612, %jit3A_609 : i32
      %rem3A_614 = vector.broadcast %select_n3A_613 : i32 to vector<16xi32>
      %rem3A_615 = arith.remsi %add3A_567, %rem3A_614 : vector<16xi32>
      %ne3A_616 = arith.constant 0 : i32
      %ne3A_617 = vector.broadcast %ne3A_616 : i32 to vector<16xi32>
      %ne3A_618 = arith.cmpi ne, %rem3A_615, %ne3A_617 : vector<16xi32>
      %lt3A_619 = arith.constant 0 : i32
      %lt3A_620 = vector.broadcast %lt3A_619 : i32 to vector<16xi32>
      %lt3A_621 = arith.cmpi slt, %rem3A_615, %lt3A_620 : vector<16xi32>
      %lt3A_622 = arith.constant 0 : i32
      %lt3A_623 = arith.cmpi slt, %select_n3A_613, %lt3A_622 : i32
      %ne3A_624 = vector.broadcast %lt3A_623 : i1 to vector<16xi1>
      %ne3A_625 = vector.broadcast %ne3A_624 : vector<16xi1> to vector<16xi1>
      %ne3A_626 = arith.xori %lt3A_621, %ne3A_625 : vector<16xi1>
      %and3A_627 = arith.andi %ne3A_626, %ne3A_618 : vector<16xi1>
      %add3A_628 = vector.broadcast %select_n3A_613 : i32 to vector<16xi32>
      %add3A_629 = arith.addi %rem3A_615, %add3A_628 : vector<16xi32>
      %select_n3A_630 = arith.select %and3A_627, %add3A_629, %rem3A_615 : vector<16xi1>, vector<16xi32>
      %add3A_631 = arith.addi %add3A_608, %select_n3A_630 : vector<16xi32>
      %gather3A_632 = tpu.vector_load_idx %arg5[%add3A_631] : memref<2080xi32, #tpu.memory_space<vmem>>[vector<16xi32>], vector<16xi32>,
      %add3A_633 = arith.constant 1073 : i32
      %add3A_634 = vector.broadcast %add3A_633 : i32 to vector<16xi32>
      %add3A_635 = arith.addi %add3A_634, %add3A_567 : vector<16xi32>
      %bitcast3A_636 = vector.bitcast %gather3A_632 : vector<16xi32> to vector<16xf32>
      %lt3A_637 = arith.constant 90 : i32
      %lt3A_638 = vector.broadcast %lt3A_637 : i32 to vector<16xi32>
      %lt3A_639 = arith.cmpi slt, %add3A_567, %lt3A_638 : vector<16xi32>
      tpu.vector_store_idx %arg7[%add3A_635], %bitcast3A_636 masked %lt3A_639 : memref<1312xf32, #tpu.memory_space<vmem>>[vector<16xi32>], vector<16xf32>, vector<16xi1>
      %add3A_640 = arith.constant 80 : i32
      %add3A_641 = vector.broadcast %add3A_640 : i32 to vector<16xi32>
      %add3A_642 = arith.addi %add3A_641, %iota3A : vector<16xi32>
      %jit3A_643 = arith.constant 6 : i32
      %div3A_644 = vector.broadcast %jit3A_643 : i32 to vector<16xi32>
      %div3A_645 = arith.divsi %add3A_642, %div3A_644 : vector<16xi32>
      %sign3A_646 = arith.constant 0 : i32
      %sign3A_647 = vector.broadcast %sign3A_646 : i32 to vector<16xi32>
      %sign3A_648 = arith.cmpi sgt, %add3A_642, %sign3A_647 : vector<16xi32>
      %sign3A_649 = arith.extui %sign3A_648 : vector<16xi1> to vector<16xi32>
      %sign3A_650 = arith.constant 0 : i32
      %sign3A_651 = vector.broadcast %sign3A_650 : i32 to vector<16xi32>
      %sign3A_652 = arith.cmpi slt, %add3A_642, %sign3A_651 : vector<16xi32>
      %sign3A_653 = arith.extui %sign3A_652 : vector<16xi1> to vector<16xi32>
      %sign3A_654 = arith.subi %sign3A_649, %sign3A_653 : vector<16xi32>
      %sign3A_655 = arith.constant 0 : i32
      %sign3A_656 = arith.cmpi sgt, %jit3A_643, %sign3A_655 : i32
      %sign3A_657 = arith.extui %sign3A_656 : i1 to i32
      %sign3A_658 = arith.constant 0 : i32
      %sign3A_659 = arith.cmpi slt, %jit3A_643, %sign3A_658 : i32
      %sign3A_660 = arith.extui %sign3A_659 : i1 to i32
      %sign3A_661 = arith.subi %sign3A_657, %sign3A_660 : i32
      %ne3A_662 = vector.broadcast %sign3A_661 : i32 to vector<16xi32>
      %ne3A_663 = arith.cmpi ne, %sign3A_654, %ne3A_662 : vector<16xi32>
      %rem3A_664 = vector.broadcast %jit3A_643 : i32 to vector<16xi32>
      %rem3A_665 = arith.remsi %add3A_642, %rem3A_664 : vector<16xi32>
      %ne3A_666 = arith.constant 0 : i32
      %ne3A_667 = vector.broadcast %ne3A_666 : i32 to vector<16xi32>
      %ne3A_668 = arith.cmpi ne, %rem3A_665, %ne3A_667 : vector<16xi32>
      %and3A_669 = arith.andi %ne3A_663, %ne3A_668 : vector<16xi1>
      %sub3A_670 = arith.constant 1 : i32
      %sub3A_671 = vector.broadcast %sub3A_670 : i32 to vector<16xi32>
      %sub3A_672 = arith.subi %div3A_645, %sub3A_671 : vector<16xi32>
      %select_n3A_673 = arith.select %and3A_669, %sub3A_672, %div3A_645 : vector<16xi1>, vector<16xi32>
      %add3A_674 = arith.constant 1136 : i32
      %add3A_675 = vector.broadcast %add3A_674 : i32 to vector<16xi32>
      %add3A_676 = arith.addi %add3A_675, %select_n3A_673 : vector<16xi32>
      %gather3A_677 = tpu.vector_load_idx %arg5[%add3A_676] : memref<2080xi32, #tpu.memory_space<vmem>>[vector<16xi32>], vector<16xi32>,
      %mul3A_678 = arith.constant 6 : i32
      %mul3A_679 = vector.broadcast %mul3A_678 : i32 to vector<16xi32>
      %mul3A_680 = arith.muli %gather3A_677, %mul3A_679 : vector<16xi32>
      %add3A_681 = arith.constant 1696 : i32
      %add3A_682 = vector.broadcast %add3A_681 : i32 to vector<16xi32>
      %add3A_683 = arith.addi %add3A_682, %mul3A_680 : vector<16xi32>
      %jit3A_684 = arith.constant 6 : i32
      %eq3A_685 = arith.constant 0 : i32
      %eq3A_686 = arith.cmpi eq, %jit3A_684, %eq3A_685 : i32
      %jit3A_687 = arith.constant 1 : i32
      %select_n3A_688 = arith.select %eq3A_686, %jit3A_687, %jit3A_684 : i32
      %rem3A_689 = vector.broadcast %select_n3A_688 : i32 to vector<16xi32>
      %rem3A_690 = arith.remsi %add3A_642, %rem3A_689 : vector<16xi32>
      %ne3A_691 = arith.constant 0 : i32
      %ne3A_692 = vector.broadcast %ne3A_691 : i32 to vector<16xi32>
      %ne3A_693 = arith.cmpi ne, %rem3A_690, %ne3A_692 : vector<16xi32>
      %lt3A_694 = arith.constant 0 : i32
      %lt3A_695 = vector.broadcast %lt3A_694 : i32 to vector<16xi32>
      %lt3A_696 = arith.cmpi slt, %rem3A_690, %lt3A_695 : vector<16xi32>
      %lt3A_697 = arith.constant 0 : i32
      %lt3A_698 = arith.cmpi slt, %select_n3A_688, %lt3A_697 : i32
      %ne3A_699 = vector.broadcast %lt3A_698 : i1 to vector<16xi1>
      %ne3A_700 = vector.broadcast %ne3A_699 : vector<16xi1> to vector<16xi1>
      %ne3A_701 = arith.xori %lt3A_696, %ne3A_700 : vector<16xi1>
      %and3A_702 = arith.andi %ne3A_701, %ne3A_693 : vector<16xi1>
      %add3A_703 = vector.broadcast %select_n3A_688 : i32 to vector<16xi32>
      %add3A_704 = arith.addi %rem3A_690, %add3A_703 : vector<16xi32>
      %select_n3A_705 = arith.select %and3A_702, %add3A_704, %rem3A_690 : vector<16xi1>, vector<16xi32>
      %add3A_706 = arith.addi %add3A_683, %select_n3A_705 : vector<16xi32>
      %gather3A_707 = tpu.vector_load_idx %arg5[%add3A_706] : memref<2080xi32, #tpu.memory_space<vmem>>[vector<16xi32>], vector<16xi32>,
      %add3A_708 = arith.constant 1073 : i32
      %add3A_709 = vector.broadcast %add3A_708 : i32 to vector<16xi32>
      %add3A_710 = arith.addi %add3A_709, %add3A_642 : vector<16xi32>
      %bitcast3A_711 = vector.bitcast %gather3A_707 : vector<16xi32> to vector<16xf32>
      %lt3A_712 = arith.constant 90 : i32
      %lt3A_713 = vector.broadcast %lt3A_712 : i32 to vector<16xi32>
      %lt3A_714 = arith.cmpi slt, %add3A_642, %lt3A_713 : vector<16xi32>
      tpu.vector_store_idx %arg7[%add3A_710], %bitcast3A_711 masked %lt3A_714 : memref<1312xf32, #tpu.memory_space<vmem>>[vector<16xi32>], vector<16xf32>, vector<16xi1>
      %add3A_715 = arith.constant 0 : i32
      %add3A_716 = vector.broadcast %add3A_715 : i32 to vector<16xi32>
      %add3A_717 = arith.addi %add3A_716, %iota3A : vector<16xi32>
      %get3A_718 = arith.constant 1152 : index
      %get3A_719 = tpu.vector_load %arg5[%get3A_718] {strides = array<i32>} : memref<2080xi32, #tpu.memory_space<vmem>>, vector<16xi32>,
      %convert_element_type3A_720 = arith.sitofp %get3A_719 : vector<16xi32> to vector<16xf32>
      %lt3A_721 = arith.constant 120 : i32
      %lt3A_722 = vector.broadcast %lt3A_721 : i32 to vector<16xi32>
      %lt3A_723 = arith.cmpi slt, %add3A_717, %lt3A_722 : vector<16xi32>
      %add3A_724 = arith.constant 1163 : i32
      %add3A_725 = vector.broadcast %add3A_724 : i32 to vector<16xi32>
      %add3A_726 = arith.addi %add3A_725, %add3A_717 : vector<16xi32>
      %sub3A_727 = arith.constant 120 : i32
      %sub3A_728 = vector.broadcast %sub3A_727 : i32 to vector<16xi32>
      %sub3A_729 = arith.subi %add3A_717, %sub3A_728 : vector<16xi32>
      %add3A_730 = arith.constant 1299 : i32
      %add3A_731 = vector.broadcast %add3A_730 : i32 to vector<16xi32>
      %add3A_732 = arith.addi %add3A_731, %sub3A_729 : vector<16xi32>
      %select_n3A_733 = arith.select %lt3A_723, %add3A_726, %add3A_732 : vector<16xi1>, vector<16xi32>
      %lt3A_734 = arith.constant 123 : i32
      %lt3A_735 = vector.broadcast %lt3A_734 : i32 to vector<16xi32>
      %lt3A_736 = arith.cmpi slt, %add3A_717, %lt3A_735 : vector<16xi32>
      tpu.vector_store_idx %arg7[%select_n3A_733], %convert_element_type3A_720 masked %lt3A_736 : memref<1312xf32, #tpu.memory_space<vmem>>[vector<16xi32>], vector<16xf32>, vector<16xi1>
      %add3A_737 = arith.constant 16 : i32
      %add3A_738 = vector.broadcast %add3A_737 : i32 to vector<16xi32>
      %add3A_739 = arith.addi %add3A_738, %iota3A : vector<16xi32>
      %get3A_740 = arith.constant 1168 : index
      %get3A_741 = tpu.vector_load %arg5[%get3A_740] {strides = array<i32>} : memref<2080xi32, #tpu.memory_space<vmem>>, vector<16xi32>,
      %convert_element_type3A_742 = arith.sitofp %get3A_741 : vector<16xi32> to vector<16xf32>
      %lt3A_743 = arith.constant 120 : i32
      %lt3A_744 = vector.broadcast %lt3A_743 : i32 to vector<16xi32>
      %lt3A_745 = arith.cmpi slt, %add3A_739, %lt3A_744 : vector<16xi32>
      %add3A_746 = arith.constant 1163 : i32
      %add3A_747 = vector.broadcast %add3A_746 : i32 to vector<16xi32>
      %add3A_748 = arith.addi %add3A_747, %add3A_739 : vector<16xi32>
      %sub3A_749 = arith.constant 120 : i32
      %sub3A_750 = vector.broadcast %sub3A_749 : i32 to vector<16xi32>
      %sub3A_751 = arith.subi %add3A_739, %sub3A_750 : vector<16xi32>
      %add3A_752 = arith.constant 1299 : i32
      %add3A_753 = vector.broadcast %add3A_752 : i32 to vector<16xi32>
      %add3A_754 = arith.addi %add3A_753, %sub3A_751 : vector<16xi32>
      %select_n3A_755 = arith.select %lt3A_745, %add3A_748, %add3A_754 : vector<16xi1>, vector<16xi32>
      %lt3A_756 = arith.constant 123 : i32
      %lt3A_757 = vector.broadcast %lt3A_756 : i32 to vector<16xi32>
      %lt3A_758 = arith.cmpi slt, %add3A_739, %lt3A_757 : vector<16xi32>
      tpu.vector_store_idx %arg7[%select_n3A_755], %convert_element_type3A_742 masked %lt3A_758 : memref<1312xf32, #tpu.memory_space<vmem>>[vector<16xi32>], vector<16xf32>, vector<16xi1>
      %add3A_759 = arith.constant 32 : i32
      %add3A_760 = vector.broadcast %add3A_759 : i32 to vector<16xi32>
      %add3A_761 = arith.addi %add3A_760, %iota3A : vector<16xi32>
      %get3A_762 = arith.constant 1184 : index
      %get3A_763 = tpu.vector_load %arg5[%get3A_762] {strides = array<i32>} : memref<2080xi32, #tpu.memory_space<vmem>>, vector<16xi32>,
      %convert_element_type3A_764 = arith.sitofp %get3A_763 : vector<16xi32> to vector<16xf32>
      %lt3A_765 = arith.constant 120 : i32
      %lt3A_766 = vector.broadcast %lt3A_765 : i32 to vector<16xi32>
      %lt3A_767 = arith.cmpi slt, %add3A_761, %lt3A_766 : vector<16xi32>
      %add3A_768 = arith.constant 1163 : i32
      %add3A_769 = vector.broadcast %add3A_768 : i32 to vector<16xi32>
      %add3A_770 = arith.addi %add3A_769, %add3A_761 : vector<16xi32>
      %sub3A_771 = arith.constant 120 : i32
      %sub3A_772 = vector.broadcast %sub3A_771 : i32 to vector<16xi32>
      %sub3A_773 = arith.subi %add3A_761, %sub3A_772 : vector<16xi32>
      %add3A_774 = arith.constant 1299 : i32
      %add3A_775 = vector.broadcast %add3A_774 : i32 to vector<16xi32>
      %add3A_776 = arith.addi %add3A_775, %sub3A_773 : vector<16xi32>
      %select_n3A_777 = arith.select %lt3A_767, %add3A_770, %add3A_776 : vector<16xi1>, vector<16xi32>
      %lt3A_778 = arith.constant 123 : i32
      %lt3A_779 = vector.broadcast %lt3A_778 : i32 to vector<16xi32>
      %lt3A_780 = arith.cmpi slt, %add3A_761, %lt3A_779 : vector<16xi32>
      tpu.vector_store_idx %arg7[%select_n3A_777], %convert_element_type3A_764 masked %lt3A_780 : memref<1312xf32, #tpu.memory_space<vmem>>[vector<16xi32>], vector<16xf32>, vector<16xi1>
      %add3A_781 = arith.constant 48 : i32
      %add3A_782 = vector.broadcast %add3A_781 : i32 to vector<16xi32>
      %add3A_783 = arith.addi %add3A_782, %iota3A : vector<16xi32>
      %get3A_784 = arith.constant 1200 : index
      %get3A_785 = tpu.vector_load %arg5[%get3A_784] {strides = array<i32>} : memref<2080xi32, #tpu.memory_space<vmem>>, vector<16xi32>,
      %convert_element_type3A_786 = arith.sitofp %get3A_785 : vector<16xi32> to vector<16xf32>
      %lt3A_787 = arith.constant 120 : i32
      %lt3A_788 = vector.broadcast %lt3A_787 : i32 to vector<16xi32>
      %lt3A_789 = arith.cmpi slt, %add3A_783, %lt3A_788 : vector<16xi32>
      %add3A_790 = arith.constant 1163 : i32
      %add3A_791 = vector.broadcast %add3A_790 : i32 to vector<16xi32>
      %add3A_792 = arith.addi %add3A_791, %add3A_783 : vector<16xi32>
      %sub3A_793 = arith.constant 120 : i32
      %sub3A_794 = vector.broadcast %sub3A_793 : i32 to vector<16xi32>
      %sub3A_795 = arith.subi %add3A_783, %sub3A_794 : vector<16xi32>
      %add3A_796 = arith.constant 1299 : i32
      %add3A_797 = vector.broadcast %add3A_796 : i32 to vector<16xi32>
      %add3A_798 = arith.addi %add3A_797, %sub3A_795 : vector<16xi32>
      %select_n3A_799 = arith.select %lt3A_789, %add3A_792, %add3A_798 : vector<16xi1>, vector<16xi32>
      %lt3A_800 = arith.constant 123 : i32
      %lt3A_801 = vector.broadcast %lt3A_800 : i32 to vector<16xi32>
      %lt3A_802 = arith.cmpi slt, %add3A_783, %lt3A_801 : vector<16xi32>
      tpu.vector_store_idx %arg7[%select_n3A_799], %convert_element_type3A_786 masked %lt3A_802 : memref<1312xf32, #tpu.memory_space<vmem>>[vector<16xi32>], vector<16xf32>, vector<16xi1>
      %add3A_803 = arith.constant 64 : i32
      %add3A_804 = vector.broadcast %add3A_803 : i32 to vector<16xi32>
      %add3A_805 = arith.addi %add3A_804, %iota3A : vector<16xi32>
      %get3A_806 = arith.constant 1216 : index
      %get3A_807 = tpu.vector_load %arg5[%get3A_806] {strides = array<i32>} : memref<2080xi32, #tpu.memory_space<vmem>>, vector<16xi32>,
      %convert_element_type3A_808 = arith.sitofp %get3A_807 : vector<16xi32> to vector<16xf32>
      %lt3A_809 = arith.constant 120 : i32
      %lt3A_810 = vector.broadcast %lt3A_809 : i32 to vector<16xi32>
      %lt3A_811 = arith.cmpi slt, %add3A_805, %lt3A_810 : vector<16xi32>
      %add3A_812 = arith.constant 1163 : i32
      %add3A_813 = vector.broadcast %add3A_812 : i32 to vector<16xi32>
      %add3A_814 = arith.addi %add3A_813, %add3A_805 : vector<16xi32>
      %sub3A_815 = arith.constant 120 : i32
      %sub3A_816 = vector.broadcast %sub3A_815 : i32 to vector<16xi32>
      %sub3A_817 = arith.subi %add3A_805, %sub3A_816 : vector<16xi32>
      %add3A_818 = arith.constant 1299 : i32
      %add3A_819 = vector.broadcast %add3A_818 : i32 to vector<16xi32>
      %add3A_820 = arith.addi %add3A_819, %sub3A_817 : vector<16xi32>
      %select_n3A_821 = arith.select %lt3A_811, %add3A_814, %add3A_820 : vector<16xi1>, vector<16xi32>
      %lt3A_822 = arith.constant 123 : i32
      %lt3A_823 = vector.broadcast %lt3A_822 : i32 to vector<16xi32>
      %lt3A_824 = arith.cmpi slt, %add3A_805, %lt3A_823 : vector<16xi32>
      tpu.vector_store_idx %arg7[%select_n3A_821], %convert_element_type3A_808 masked %lt3A_824 : memref<1312xf32, #tpu.memory_space<vmem>>[vector<16xi32>], vector<16xf32>, vector<16xi1>
      %add3A_825 = arith.constant 80 : i32
      %add3A_826 = vector.broadcast %add3A_825 : i32 to vector<16xi32>
      %add3A_827 = arith.addi %add3A_826, %iota3A : vector<16xi32>
      %get3A_828 = arith.constant 1232 : index
      %get3A_829 = tpu.vector_load %arg5[%get3A_828] {strides = array<i32>} : memref<2080xi32, #tpu.memory_space<vmem>>, vector<16xi32>,
      %convert_element_type3A_830 = arith.sitofp %get3A_829 : vector<16xi32> to vector<16xf32>
      %lt3A_831 = arith.constant 120 : i32
      %lt3A_832 = vector.broadcast %lt3A_831 : i32 to vector<16xi32>
      %lt3A_833 = arith.cmpi slt, %add3A_827, %lt3A_832 : vector<16xi32>
      %add3A_834 = arith.constant 1163 : i32
      %add3A_835 = vector.broadcast %add3A_834 : i32 to vector<16xi32>
      %add3A_836 = arith.addi %add3A_835, %add3A_827 : vector<16xi32>
      %sub3A_837 = arith.constant 120 : i32
      %sub3A_838 = vector.broadcast %sub3A_837 : i32 to vector<16xi32>
      %sub3A_839 = arith.subi %add3A_827, %sub3A_838 : vector<16xi32>
      %add3A_840 = arith.constant 1299 : i32
      %add3A_841 = vector.broadcast %add3A_840 : i32 to vector<16xi32>
      %add3A_842 = arith.addi %add3A_841, %sub3A_839 : vector<16xi32>
      %select_n3A_843 = arith.select %lt3A_833, %add3A_836, %add3A_842 : vector<16xi1>, vector<16xi32>
      %lt3A_844 = arith.constant 123 : i32
      %lt3A_845 = vector.broadcast %lt3A_844 : i32 to vector<16xi32>
      %lt3A_846 = arith.cmpi slt, %add3A_827, %lt3A_845 : vector<16xi32>
      tpu.vector_store_idx %arg7[%select_n3A_843], %convert_element_type3A_830 masked %lt3A_846 : memref<1312xf32, #tpu.memory_space<vmem>>[vector<16xi32>], vector<16xf32>, vector<16xi1>
      %add3A_847 = arith.constant 96 : i32
      %add3A_848 = vector.broadcast %add3A_847 : i32 to vector<16xi32>
      %add3A_849 = arith.addi %add3A_848, %iota3A : vector<16xi32>
      %get3A_850 = arith.constant 1248 : index
      %get3A_851 = tpu.vector_load %arg5[%get3A_850] {strides = array<i32>} : memref<2080xi32, #tpu.memory_space<vmem>>, vector<16xi32>,
      %convert_element_type3A_852 = arith.sitofp %get3A_851 : vector<16xi32> to vector<16xf32>
      %lt3A_853 = arith.constant 120 : i32
      %lt3A_854 = vector.broadcast %lt3A_853 : i32 to vector<16xi32>
      %lt3A_855 = arith.cmpi slt, %add3A_849, %lt3A_854 : vector<16xi32>
      %add3A_856 = arith.constant 1163 : i32
      %add3A_857 = vector.broadcast %add3A_856 : i32 to vector<16xi32>
      %add3A_858 = arith.addi %add3A_857, %add3A_849 : vector<16xi32>
      %sub3A_859 = arith.constant 120 : i32
      %sub3A_860 = vector.broadcast %sub3A_859 : i32 to vector<16xi32>
      %sub3A_861 = arith.subi %add3A_849, %sub3A_860 : vector<16xi32>
      %add3A_862 = arith.constant 1299 : i32
      %add3A_863 = vector.broadcast %add3A_862 : i32 to vector<16xi32>
      %add3A_864 = arith.addi %add3A_863, %sub3A_861 : vector<16xi32>
      %select_n3A_865 = arith.select %lt3A_855, %add3A_858, %add3A_864 : vector<16xi1>, vector<16xi32>
      %lt3A_866 = arith.constant 123 : i32
      %lt3A_867 = vector.broadcast %lt3A_866 : i32 to vector<16xi32>
      %lt3A_868 = arith.cmpi slt, %add3A_849, %lt3A_867 : vector<16xi32>
      tpu.vector_store_idx %arg7[%select_n3A_865], %convert_element_type3A_852 masked %lt3A_868 : memref<1312xf32, #tpu.memory_space<vmem>>[vector<16xi32>], vector<16xf32>, vector<16xi1>
      %add3A_869 = arith.constant 112 : i32
      %add3A_870 = vector.broadcast %add3A_869 : i32 to vector<16xi32>
      %add3A_871 = arith.addi %add3A_870, %iota3A : vector<16xi32>
      %get3A_872 = arith.constant 1264 : index
      %get3A_873 = tpu.vector_load %arg5[%get3A_872] {strides = array<i32>} : memref<2080xi32, #tpu.memory_space<vmem>>, vector<16xi32>,
      %convert_element_type3A_874 = arith.sitofp %get3A_873 : vector<16xi32> to vector<16xf32>
      %lt3A_875 = arith.constant 120 : i32
      %lt3A_876 = vector.broadcast %lt3A_875 : i32 to vector<16xi32>
      %lt3A_877 = arith.cmpi slt, %add3A_871, %lt3A_876 : vector<16xi32>
      %add3A_878 = arith.constant 1163 : i32
      %add3A_879 = vector.broadcast %add3A_878 : i32 to vector<16xi32>
      %add3A_880 = arith.addi %add3A_879, %add3A_871 : vector<16xi32>
      %sub3A_881 = arith.constant 120 : i32
      %sub3A_882 = vector.broadcast %sub3A_881 : i32 to vector<16xi32>
      %sub3A_883 = arith.subi %add3A_871, %sub3A_882 : vector<16xi32>
      %add3A_884 = arith.constant 1299 : i32
      %add3A_885 = vector.broadcast %add3A_884 : i32 to vector<16xi32>
      %add3A_886 = arith.addi %add3A_885, %sub3A_883 : vector<16xi32>
      %select_n3A_887 = arith.select %lt3A_877, %add3A_880, %add3A_886 : vector<16xi1>, vector<16xi32>
      %lt3A_888 = arith.constant 123 : i32
      %lt3A_889 = vector.broadcast %lt3A_888 : i32 to vector<16xi32>
      %lt3A_890 = arith.cmpi slt, %add3A_871, %lt3A_889 : vector<16xi32>
      tpu.vector_store_idx %arg7[%select_n3A_887], %convert_element_type3A_874 masked %lt3A_890 : memref<1312xf32, #tpu.memory_space<vmem>>[vector<16xi32>], vector<16xf32>, vector<16xi1>
      %broadcast_in_dim3A = arith.constant 1275 : i32
      %broadcast_in_dim3A_891 = vector.broadcast %broadcast_in_dim3A : i32 to vector<16xi32>
      %gather3A_892 = tpu.vector_load_idx %arg5[%broadcast_in_dim3A_891] : memref<2080xi32, #tpu.memory_space<vmem>>[vector<16xi32>], vector<16xi32>,
      %mul3A_893 = arith.constant 16 : i32
      %mul3A_894 = vector.broadcast %mul3A_893 : i32 to vector<16xi32>
      %mul3A_895 = arith.muli %gather3A_892, %mul3A_894 : vector<16xi32>
      %add3A_896 = arith.constant 1760 : i32
      %add3A_897 = vector.broadcast %add3A_896 : i32 to vector<16xi32>
      %add3A_898 = arith.addi %add3A_897, %mul3A_895 : vector<16xi32>
      %add3A_899 = arith.addi %add3A_898, %iota3A : vector<16xi32>
      %gather3A_900 = tpu.vector_load_idx %arg5[%add3A_899] : memref<2080xi32, #tpu.memory_space<vmem>>[vector<16xi32>], vector<16xi32>,
      %add3A_901 = arith.constant 1283 : i32
      %add3A_902 = vector.broadcast %add3A_901 : i32 to vector<16xi32>
      %add3A_903 = arith.addi %add3A_902, %iota3A : vector<16xi32>
      %bitcast3A_904 = vector.bitcast %gather3A_900 : vector<16xi32> to vector<16xf32>
      tpu.vector_store_idx %arg7[%add3A_903], %bitcast3A_904 : memref<1312xf32, #tpu.memory_space<vmem>>[vector<16xi32>], vector<16xf32>,
      %dma_wait3A_905 = arith.constant 0 : i32
      %dma_wait3A_906 = tpu.memref_slice %arg5[%dma_wait3A_905] : memref<2080xi32, #tpu.memory_space<vmem>> -> memref<112xi32, #tpu.memory_space<vmem>>
      %dma_wait3A_907 = arith.constant 0 : i32
      %dma_wait3A_908 = arith.constant 0 : i32
      %dma_wait3A_909 = tpu.memref_slice %arg3[%dma_wait3A_907, %dma_wait3A_908] : memref<1001x32xf32, #tpu.memory_space<hbm>> -> memref<1001x32xf32, #tpu.memory_space<hbm>>
      tpu.wait_indirect_dma semaphore(%arg9 : memref<!tpu.dma_semaphore, #tpu.memory_space<semaphore_mem>>) src(%dma_wait3A_909 : memref<1001x32xf32, #tpu.memory_space<hbm>>) dst(%arg6 : memref<112x32xf32, #tpu.memory_space<vmem>>)
      %broadcast_in_dim3A_910 = arith.constant 0.000000e+00 : f32
      %broadcast_in_dim3A_911 = vector.broadcast %broadcast_in_dim3A_910 : f32 to vector<16xf32>
      %scan3A_912 = arith.constant 0 : i32
      %scan3A_913 = arith.constant 100 : i32
      %scan3A_914 = arith.addi %scan3A_912, %scan3A_913 : i32
      %scan3A_915 = arith.constant 1 : i32
      %scan3A_916:2 = scf.for %scan3A_930 = %scan3A_912 to %scan3A_914 step %scan3A_915 iter_args(%scan3A_931 = %broadcast_in_dim3A_911, %scan3A_932 = %broadcast_in_dim3A_911) -> (vector<16xf32>, vector<16xf32>)  : i32 {
        %get3A_933 = arith.index_cast %scan3A_930 : i32 to index
        %get3A_934 = arith.constant 0 : index
        %get3A_935 = tpu.vector_load %arg6[%get3A_933, %get3A_934] {strides = array<i32>} : memref<112x32xf32, #tpu.memory_space<vmem>>, vector<16xf32>,
        %add3A_936 = arith.addf %scan3A_931, %get3A_935 : vector<16xf32>
        %get3A_937 = arith.index_cast %scan3A_930 : i32 to index
        %get3A_938 = arith.constant 16 : index
        %get3A_939 = tpu.vector_load %arg6[%get3A_937, %get3A_938] {strides = array<i32>} : memref<112x32xf32, #tpu.memory_space<vmem>>, vector<16xf32>,
        %add3A_940 = arith.addf %scan3A_932, %get3A_939 : vector<16xf32>
        scf.yield %add3A_936, %add3A_940 : vector<16xf32>, vector<16xf32>
      }
      %scan3A_917 = arith.constant 100 : i32
      %add3A_918 = arith.constant 1001 : i32
      %add3A_919 = vector.broadcast %add3A_918 : i32 to vector<16xi32>
      %add3A_920 = arith.addi %add3A_919, %iota3A : vector<16xi32>
      %mul3A_921 = arith.constant 0.00999999977 : f32
      %mul3A_922 = vector.broadcast %mul3A_921 : f32 to vector<16xf32>
      %mul3A_923 = arith.mulf %scan3A_916#0, %mul3A_922 : vector<16xf32>
      tpu.vector_store_idx %arg7[%add3A_920], %mul3A_923 : memref<1312xf32, #tpu.memory_space<vmem>>[vector<16xi32>], vector<16xf32>,
      %add3A_924 = arith.constant 1017 : i32
      %add3A_925 = vector.broadcast %add3A_924 : i32 to vector<16xi32>
      %add3A_926 = arith.addi %add3A_925, %iota3A : vector<16xi32>
      %mul3A_927 = arith.constant 0.00999999977 : f32
      %mul3A_928 = vector.broadcast %mul3A_927 : f32 to vector<16xf32>
      %mul3A_929 = arith.mulf %scan3A_916#1, %mul3A_928 : vector<16xf32>
      tpu.vector_store_idx %arg7[%add3A_926], %mul3A_929 : memref<1312xf32, #tpu.memory_space<vmem>>[vector<16xi32>], vector<16xf32>,
      "tpu.region"() ({
        %run_scoped3A = tpu.sem_alloc : memref<!tpu.dma_semaphore, #tpu.memory_space<semaphore_mem>>
        %dma_start3A_930 = arith.constant 0 : i32
        %dma_start3A_931 = tpu.memref_slice %arg7[%dma_start3A_930] : memref<1312xf32, #tpu.memory_space<vmem>> -> memref<1302xf32, #tpu.memory_space<vmem>>
        %dma_start3A_932 = arith.constant 0 : i32
        %dma_start3A_933 = tpu.memref_slice %arg7[%dma_start3A_932] : memref<1312xf32, #tpu.memory_space<vmem>> -> memref<1302xf32, #tpu.memory_space<vmem>>
        tpu.enqueue_dma source(%dma_start3A_933 : memref<1302xf32, #tpu.memory_space<vmem>>) target(%arg4 : memref<1302xf32, #tpu.memory_space<hbm>>) target_semaphore(%run_scoped3A : memref<!tpu.dma_semaphore, #tpu.memory_space<semaphore_mem>>)
        %dma_wait3A_934 = arith.constant 0 : i32
        %dma_wait3A_935 = tpu.memref_slice %arg7[%dma_wait3A_934] : memref<1312xf32, #tpu.memory_space<vmem>> -> memref<1302xf32, #tpu.memory_space<vmem>>
        %dma_wait3A_936 = arith.constant 0 : i32
        %dma_wait3A_937 = tpu.memref_slice %arg7[%dma_wait3A_936] : memref<1312xf32, #tpu.memory_space<vmem>> -> memref<1302xf32, #tpu.memory_space<vmem>>
        tpu.wait_dma2 semaphore(%run_scoped3A : memref<!tpu.dma_semaphore, #tpu.memory_space<semaphore_mem>>) src(%dma_wait3A_937 : memref<1302xf32, #tpu.memory_space<vmem>>) dst(%arg4 : memref<1302xf32, #tpu.memory_space<hbm>>)
        tpu.yield
      }) : () -> ()
    } else {
    }
    return
  }
}

</mosaic_0001>

<sc_bundles>
// kernel: kernel.3.cloned.1.call-start
scs
__scs_entry_jumppad:
0x0: {  	(pc) =	sbr.rel $0x88, $3  }
0x1: {  	(tag) =	ssettag $0x0;
	lr =	simm.s32 $0x1  }
0x2: {  	[smem:$0x3F93] =	sst lr;
	_ =	strace $0xD0000000  }
0x3: {  	_ = 	snop  }
0x4: {  	_ = 	snop  }
0x5: {  	_ = 	snop  }
0x6: {  	_ = 	snop  }
0x7: {  	_ = 	snop  }
__scs_overlays_trampoline_lowered:
0x8: {  	[smem:$0x3FA2] =	sst s0  }
0x9: {  	[smem:$0x3FA3] =	sst s1  }
0xa: {  	[smem:$0x3FA4] =	sst s2  }
0xb: {  	[smem:$0x3FA5] =	sst s3  }
0xc: {  	[smem:$0x3FA6] =	sst s4  }
0xd: {  	[smem:$0x3FA7] =	sst s5  }
0xe: {  	[smem:$0x3FA8] =	sst s6  }
0xf: {  	[smem:$0x3FA9] =	sst s7  }
0x10: {  	[smem:$0x3FAA] =	sst s8  }
0x11: {  	[smem:$0x3FAB] =	sst s9;
	s0 =	simm.s32 @!p0 $0x0  }
0x12: {  	s1 =	sld [smem:$0x3F91];
	s0 =	simm.s32 @p0 $0x1  }
0x13: {  	[smem:$0x3FAC] =	sst s0;
	s0 =	simm.s32 @!p1 $0x0  }
0x14: {  	s2 =	sld [smem:$0x3F90];
	s0 =	simm.s32 @p1 $0x1  }
0x15: {  	[smem:$0x3FAD] =	sst s0;
	s0 =	simm.s32 @!p2 $0x0  }
0x16: {  	s3 =	sld [smem:$0x3FDB];
	s0 =	simm.s32 @p2 $0x1  }
0x17: {  	s4 =	simm.s32 $0x1BF5;
	[smem:$0x3FAF] =	sst s0  }
0x18: {  	s0 =	sld [smem:$0x3F92];
	_ =	swait.ge [sflag:s4], $0x0  }
0x19: {  	s7 =	sld [smem:$0x3F93]  }
0x1a: {  	s8 =	sadd.s32 $0xFFFFE003, lr  }
0x1b: {  	s9 =	sadd.s32 $0xFFFFFEF7, lr;
	s5 =	simm.s32 $0xFFFFFFFF;
	p2 =	slt.u32 s8, $0xFFFFF086  }
0x1c: {  	p1 =	slt.u32 s9, $0xF7A;
	s5 =	simm.s32 @!p2 $0x0  }
0x1d: {  	s5 =	simm.s32 @p1 $0x1;
	p0 =	seq.s32 s7, s2  }
0x1e: {  	s7 =	smul.u32 @!p0 $0xF7A, s2;
	p2 =	seq.s32 @!p0 s5, $0x0  }
0x1f: {  	s9 =	smul.u32 $0xF7A, s1;
	s8 =	simm.s32 @!p0 $0x1BF5;
	p2 =	por !p2, p0  }
0x20: {  	[sflag:s8] =	ssyncset.s32 @!p0 $0xFFFFF086;
	s6 =	sadd.s32 @!p0 s3, s7;
	s7 =	simm.s32 @!p0 $0x108  }
0x21: {  	s3 =	sadd.s32 s3, s9;
	s6 =	sadd.s32 @!p0 $0x88, s6;
	s7 =	simm.s32 @p2 $0x1082  }
0x22: {  	[simem:s7], [sflag:s8] =	dma.local @!p0 [hbm:s6], $0xF7A  }
0x23: {  	s9 =	sor.u32 $0xD0000000, s2;
	s6 =	simm.s32 $0x108;
	_ =	swait.ge @!p0 [sflag:s8], $0x0  }
0x24: {  	s3 =	sadd.s32 $0x88, s3;
	s6 =	simm.s32 @!p1 $0x1082;
	[sflag:s4] =	ssyncset.s32 $0xFFFFF086  }
0x25: {  	[simem:s6], [sflag:s4] =	dma.local [hbm:s3], $0xF7A  }
0x26: {  	[smem:$0x3F93] =	sst s1;
	(tag) =	ssettag s2;
	_ =	strace s9  }
0x27: {  	s1 =	sld [smem:$0x3FA3]  }
0x28: {  	s2 =	sld [smem:$0x3FA4]  }
0x29: {  	s4 =	sld [smem:$0x3FA6]  }
0x2a: {  	p0 =	seq.s32 s5, $0x0;
	s5 =	sld [smem:$0x3FA7]  }
0x2b: {  	s6 =	sld [smem:$0x3FA8]  }
0x2c: {  	s7 =	sld [smem:$0x3FA9]  }
0x2d: {  	s3 =	simm.s32 $0x108;
	s8 =	sld [smem:$0x3FAA]  }
0x2e: {  	s3 =	simm.s32 @!p0 $0x1082;
	s9 =	sld [smem:$0x3FAB]  }
0x2f: {  	lr =	sadd.s32 s0, s3;
	s0 =	sld [smem:$0x3FA2]  }
0x30: {  	s3 =	sld [smem:$0x3FA5]  }
0x31: {  	[smem:$0x3FAE] =	sst s10  }
0x32: {  	s10 =	sld [smem:$0x3FAC];
	_ =	sdelay $0x3  }
0x33: {  	p0 =	seq.s32 s10, $0x1;
	s10 =	sld [smem:$0x3FAE];
	_ =	sdelay $0x3  }
0x34: {  	[smem:$0x3FAE] =	sst s10  }
0x35: {  	s10 =	sld [smem:$0x3FAD];
	_ =	sdelay $0x3  }
0x36: {  	p1 =	seq.s32 s10, $0x1;
	s10 =	sld [smem:$0x3FAE];
	_ =	sdelay $0x3  }
0x37: {  	[smem:$0x3FAE] =	sst s10  }
0x38: {  	s10 =	sld [smem:$0x3FAF]  }
0x39: {  	_ = 	snop;
	(pc) =	sbr.ind lr, $3  }
0x3a: {  	_ = 	snop  }
0x3b: {  	_ = 	snop  }
0x3c: {  	p2 =	seq.s32 s10, $0x1;
	s10 =	sld [smem:$0x3FAE]  }
0x3d: {  	_ =	shalt  }
0x3e: {  	_ =	shalt  }
0x3f: {  	_ =	shalt  }
0x40: {  	_ =	shalt  }
0x41: {  	_ =	shalt  }
0x42: {  	_ =	shalt  }
0x43: {  	_ =	shalt  }
0x44: {  	_ =	shalt  }
0x45: {  	_ =	shalt  }
0x46: {  	_ =	shalt  }
0x47: {  	_ =	shalt  }
0x48: {  	_ =	shalt  }
0x49: {  	_ =	shalt  }
0x4a: {  	_ =	shalt  }
0x4b: {  	_ =	shalt  }
0x4c: {  	_ =	shalt  }
0x4d: {  	_ =	shalt  }
0x4e: {  	_ =	shalt  }
0x4f: {  	_ =	shalt  }
0x50: {  	_ =	shalt  }
0x51: {  	_ =	shalt  }
0x52: {  	_ =	shalt  }
0x53: {  	_ =	shalt  }
0x54: {  	_ =	shalt  }
0x55: {  	_ =	shalt  }
0x56: {  	_ =	shalt  }
0x57: {  	_ =	shalt  }
0x58: {  	_ =	shalt  }
0x59: {  	_ =	shalt  }
0x5a: {  	_ =	shalt  }
0x5b: {  	_ =	shalt  }
0x5c: {  	_ =	shalt  }
0x5d: {  	_ =	shalt  }
0x5e: {  	_ =	shalt  }
0x5f: {  	_ =	shalt  }
0x60: {  	_ =	shalt  }
0x61: {  	_ =	shalt  }
0x62: {  	_ =	shalt  }
0x63: {  	_ =	shalt  }
0x64: {  	_ =	shalt  }
0x65: {  	_ =	shalt  }
0x66: {  	_ =	shalt  }
0x67: {  	_ =	shalt  }
0x68: {  	_ =	shalt  }
0x69: {  	_ =	shalt  }
0x6a: {  	_ =	shalt  }
0x6b: {  	_ =	shalt  }
0x6c: {  	_ =	shalt  }
0x6d: {  	_ =	shalt  }
0x6e: {  	_ =	shalt  }
0x6f: {  	_ =	shalt  }
0x70: {  	_ =	shalt  }
0x71: {  	_ =	shalt  }
0x72: {  	_ =	shalt  }
0x73: {  	_ =	shalt  }
0x74: {  	_ =	shalt  }
0x75: {  	_ =	shalt  }
0x76: {  	_ =	shalt  }
0x77: {  	_ =	shalt  }
0x78: {  	_ =	shalt  }
0x79: {  	_ =	shalt  }
0x7a: {  	_ =	shalt  }
0x7b: {  	_ =	shalt  }
0x7c: {  	_ =	shalt  }
0x7d: {  	_ =	shalt  }
0x7e: {  	_ =	shalt  }
0x7f: {  	_ =	shalt  }
0x80: {  	_ =	shalt  }
0x81: {  	_ =	shalt  }
0x82: {  	_ =	shalt  }
0x83: {  	_ =	shalt  }
0x84: {  	_ =	shalt  }
0x85: {  	_ =	shalt  }
0x86: {  	_ =	shalt  }
0x87: {  	_ =	shalt  }
.Lfunc_end0:
.L_simem_size_0:
called_computation_lowered:
.L_overlay_start_0:
0x88: {  	s0 =	sld [smem:$0x3FD9]  }
0x89: {  	s1 =	sld [smem:$0x3FFE];
	_ =	sdelay $0x3  }
0x8a: {  	s0 =	sadd.s32 s1, s0  }
0x8b: {  	[smem:$0x3FBA] =	sst s0  }
0x8c: {  	_ = 	snop  }
0x8d: {  	s0 =	sld [smem:$0x3FD0];
	(tm) =	ssettm $0x1  }
0x8e: {  	s16 =	sld [smem:$0x3FFB];
	_ =	sdelay $0x3  }
0x8f: {  	_ =	strace s16  }
0x90: {  	s1 =	sld [smem:$0x3FFC];
	_ =	sdelay $0x3  }
0x91: {  	_ =	strace s1  }
0x92: {  	s1 =	sld [smem:$0x3FFD];
	_ =	sdelay $0x3  }
0x93: {  	_ =	strace s1  }
0x94: {  	_ =	strace $0x8FFFFFFF  }
0x95: {  	s17 =	sld [smem:$0x3FDB];
	_ =	sdelay $0x1  }
0x96: {  	s2 =	simm.s32 $_scs_section_size  }
0x97: {  	s3 =	simm.s32 $_size__tile_overlayer_lowered;
	s4 =	simm.s32 $_tile_overlayer_lowered  }
0x98: {  	s20 =	simm.s32 $0x1BFF;
	s19 =	sshll.u32 s4, $0x1;
	s1 =	sadd.s32 s2, s17  }
0x99: {  	s5 =	simm.s32 $0x0;
	s18 =	sshll.u32 s3, $0x1;
	s3 =	sadd.s32 s19, s1  }
0x9a: {  	[timem:s5], [sflag:s20] =	dma.local [hbm:s3], s18  }
0x9b: {  	_ =	swait.ge [sflag:s20], s18  }
0x9c: {  	s2 =	ssub.s32 $0x0, s18;
	[sflag:s20] =	ssyncset.done $0x0  }
0x9d: {  	[sflag:s20] =	ssyncadd.s32 s2;
	_ =	sdelay $0x1  }
0x9e: {  	s21 =	simm.s32 $0x1B8B  }
0x9f: {  	_ =	swait.ge [sflag:s21], $0x1  }
0xa0: {  	[sflag:s21] =	ssyncset.done $0x0  }
0xa1: {  	s23 =	simm.s32 $0x1B8E;
	s22 =	sld [smem:$0x3FFE];
	[sflag:s21] =	ssyncadd.s32 $0xFFFFFFFF  }
0xa2: {  	s24 =	simm.s32 $execute0_lowered;
	[smem:$0x3FD2] =	sst s23  }
0xa3: {  	s3 =	sshll.u32 s24, $0x1;
	_ =	strace $0x80000046;
	[dreg:$0x1] =	wrdreg $0xFFFFFFFF  }
0xa4: {  	s25 =	simm.s32 $_size_execute0_lowered;
	s1 =	sadd.s32 s1, s3;
	[dreg:$0x0] =	wrdreg $0x0  }
0xa5: {  	s3 =	sshll.u32 s25, $0x1;
	[dreg:$0x2] =	wrdreg s1  }
0xa6: {  	[dreg:$0x3] =	wrdreg s3  }
0xa7: {  	[dreg:$0x4] =	wrdreg $0xC0  }
0xa8: {  	_ =	task [dreg:s5], $0x5FFFF  }
0xa9: {  	[dreg:$0x1] =	wrdreg $0xFFFFFFFF  }
0xaa: {  	[dreg:$0x0] =	wrdreg $0x60  }
0xab: {  	[dreg:$0x2] =	wrdreg s22  }
0xac: {  	[dreg:$0x3] =	wrdreg s0  }
0xad: {  	[dreg:$0x4] =	wrdreg $0x9  }
0xae: {  	_ =	task.clear_ibuf [dreg:s5], $0x5FFFF;
	_ =	strace $0x90000046  }
0xaf: {  	s26 =	simm.s32 $0x9;
	_ =	strace $0x80000048  }
0xb0: {  	_ =	swait.ge [sflag:s26], $0x1  }
0xb1: {  	[sflag:s26] =	ssyncadd.s32 $0xFFFFFFFF  }
0xb2: {  	_ =	strace $0x90000048  }
0xb3: {  	_ =	sfence  }
0xb4: {  	s28 =	sld [smem:$0x0];
	_ =	sdelay $0x1  }
0xb5: {  	s29 =	srdreg.scid  }
0xb6: {  	s30 =	sshll.u32 s29, $0xD;
	s31 =	sshrl.u32 s29, $0x2  }
0xb7: {  	s2 =	sand.u32 $0x4000, s30;
	s1 =	sand.u32 $0x1, s29;
	s0 =	sadd.s32 s31, s28  }
0xb8: {  	s1 =	sor.u32 s2, s1;
	s0 =	sshll.u32 s0, $0x11  }
0xb9: {  	s0 =	sor.u32 s0, s1  }
0xba: {  	s0 =	sadd.s32 $0x8F2B, s0  }
0xbb: {  	[sflag:s0] =	ssyncadd.remote.s32 $0x1  }
0xbc: {  	_ =	sfence.sel $0xFFFF  }
0xbd: {  	[dreg:$0x0] =	wrdreg $0xFFFFFFFF;
	(pc) =	sbr.abs _section_cstart, $3  }
0xbe: {  	[dreg:$0x1] =	wrdreg $0xFFFFFFFF  }
0xbf: {  	_ =	task.clear_ibuf [dreg:s5], $0x2FFFF;
	_ =	strace $0x9FFFFFFF  }
0xc0: {  	(tm) =	ssettm $0x7FFFFFFF  }
0xc1: {  	_ =	shalt  }
tec
execute0_lowered:
.L_overlay_start_1:
0x0: {  	(tag) =	ssettag $0x1  }
0x1: {  	s4 =	stileid.u32  }
0x2: {  	p0 =	sne.s32 s4, $0x0  }
.Ltmp0:
0x3: {  	_ = 	snop;
	(pc) =	sbr.rel @p0 .LBB2_6-.Ltmp0, $4  }
0x4: {  	s2 =	rddreg [dreg:$0x0]  }
0x5: {  	s1 =	rddreg [dreg:$0x1];
	s3 =	simm.s32 $0x0  }
0x6: {  	[smem:$0x7FF] =	sst s3  }
0x7: {  	s0 =	rddreg [dreg:$0x2];
	_ =	strace $0x80000047  }
0x8: {  	s4 =	sadd.s32 $0x2C00, s2  }
0x9: {  	[tilespmem:s3], [sflag:$0x1] =	stream.linear.gather [hbm4b:s4+s3], $0x70, $0x38;
	[tilespmem:$0x1B40] =	vst v63  }
0xa: {  	s5 =	simm.s32 $0x70;
	s30 =	simm.s32 $0x1;
	s4 =	sadd.s32 $0xE, s4  }
0xb: {  	[tilespmem:s5], [sflag:$0x1] =	stream.linear.gather [hbm4b:s4+s3], $0x7B0, $0x38;
	[tilespmem:$0x1B40] =	vst v63  }
0xc: {  	_ =	swait.ge [sflag:s30], $0x70  }
0xd: {  	[sflag:s30] =	ssyncset.done $0x0  }
0xe: {  	s31 =	sadd.s32 $0x1600, s2;
	s6 =	simm.s32 $0x820;
	[sflag:s30] =	ssyncadd.s32 $0xFFFFFF90  }
0xf: {  	[tilespmem:s6], [sflag:$0x2] =	stream.indirect.gather [hbm4b:s31+s5], $0x20, s3, s5, $0xb8;
	[tilespmem:$0x1B40] =	vst v63  }
0x10: {  	_ =	swait.ge [sflag:s30], $0x7B0  }
0x11: {  	[sflag:s30] =	ssyncset.done $0x0  }
0x12: {  	s2 =	simm.s32 $0x0;
	[sflag:s30] =	ssyncadd.s32 $0xFFFFF850  }
0x13: {  	v0 =	vld [tilespmem:s2+$0x70]  }
0x14: {  	s3 =	simm.s32 $0x40  }
.LBB2_2:
0x15: {  	p1 =	sne.s32 s3, $0xF40  }
.Ltmp1:
0x16: {  	_ = 	snop;
	(pc) =	sbr.rel @p1 .LBB2_2-.Ltmp1, $4  }
0x17: {  	_ = 	snop  }
0x18: {  	s4 =	sshra.s32 s3, $0x2;
	s3 =	sadd.s32 $0x40, s3;
	v1 =	vcvt.s32.f32 v0  }
0x19: {  	v0 =	vld [tilespmem:s4+$0x70]  }
0x1a: {  	[tilespmem:s2+$0x1620] =	vst v1;
	s2 =	smov.u32 s4  }
0x1b: {  	_ =	sdelay $0x2  }
0x1c: {  	v0 =	vcvt.s32.f32 v0;
	_ =	sdelay $0x1  }
0x1d: {  	[tilespmem:s2+$0x1620] =	vst v0  }
0x1e: {  	v1 =	vld [tilespmem:$0x450]  }
0x1f: {  	v0 =	vlaneseq.u32  }
0x20: {  	v2 =	vor.u32 $0x3E0, v0;
	v3 =	vshrl.u32 v0, $0x3  }
0x21: {  	v4 =	vor.u32 $0x460, v3;
	_ =	sdelay $0x1  }
0x22: {  	v1 =	vcvt.s32.f32 v1  }
0x23: {  	s29 =	simm.s32 $0x1620  }
0x24: {  	s3 =	simm.s32 $0x0;
	[tilespmem:v2+s29+$0x0] =	vst.idx.msk $0x1ff, v1  }
0x25: {  	v2 =	vld.idx.msk [tilespmem:v4+s3+$0x0], $0xffff;
	_ =	sdelay $0x3  }
0x26: {  	v1 =	vand.u32 $0x7, v0  }
0x27: {  	v4 =	vor.u32 $0x500, v1;
	v2 =	vshll.u32 v2, $0x3  }
0x28: {  	v2 =	vadd.s32 v4, v2;
	_ =	sdelay $0x4  }
0x29: {  	v5 =	vadd.s32 $0x409, v0;
	v2 =	vld.idx.msk [tilespmem:v2+s3+$0x0], $0xffff  }
0x2a: {  	v6 =	vor.u32 $0x462, v3;
	_ =	sdelay $0x3  }
0x2b: {  	[tilespmem:v5+s29+$0x0] =	vst.idx.msk $0xffff, v2  }
0x2c: {  	v2 =	vld.idx.msk [tilespmem:v6+s3+$0x0], $0xffff;
	_ =	sdelay $0x4  }
0x2d: {  	v2 =	vshll.u32 v2, $0x3  }
0x2e: {  	v2 =	vadd.s32 v4, v2;
	_ =	sdelay $0x4  }
0x2f: {  	v5 =	vadd.s32 $0x419, v0;
	v2 =	vld.idx.msk [tilespmem:v2+s3+$0x0], $0xffff  }
0x30: {  	v3 =	vor.u32 $0x464, v3;
	_ =	sdelay $0x3  }
0x31: {  	[tilespmem:v5+s29+$0x0] =	vst.idx.msk $0xffff, v2  }
0x32: {  	v2 =	vld.idx.msk [tilespmem:v3+s3+$0x0], $0xffff;
	_ =	sdelay $0x4  }
0x33: {  	v2 =	vshll.u32 v2, $0x3  }
0x34: {  	v2 =	vadd.s32 v4, v2;
	_ =	sdelay $0x2  }
0x35: {  	vm0 =	vcmask $0x1700;
	vm13 =	vcmask $0x300;
	vm1 =	vcmask $0x2F18  }
0x36: {  	vm6 =	vcmask $0x704;
	v5 =	vimm.s32 $0x6A3;
	v4 =	vimm.s32 $0x472  }
0x37: {  	v3 =	vadd.s32 $0x429, v0;
	v5 =	vsel vm13, $0x6A0, v5;
	v4 =	vsel vm0, $0x470, v4;
	v2 =	vld.idx.msk [tilespmem:v2+s3+$0x0], $0xffff  }
0x38: {  	vm5 =	vcmask $0xB08;
	v5 =	vsel vm6, $0x6A1, v5;
	v4 =	vsel vm1, $0x471, v4  }
0x39: {  	v5 =	vsel vm5, $0x6A2, v5;
	vm1 =	vcmask $0x1310  }
0x3a: {  	vm2 =	vcmask $0x1714;
	v5 =	vsel vm1, $0x6A4, v5  }
0x3b: {  	vm3 =	vcmask $0x1B18;
	v5 =	vsel vm2, $0x6A5, v5  }
0x3c: {  	vm7 =	vcmask $0x1F1C;
	[tilespmem:v3+s29+$0x0] =	vst.idx.msk $0xff, v2;
	v2 =	vsel vm3, $0x6A0, v5  }
0x3d: {  	vm11 =	vcmask $0x2320;
	v3 =	vld.idx.msk [tilespmem:v4+s3+$0x0], $0xffff;
	v2 =	vsel vm7, $0x6A1, v2  }
0x3e: {  	vm4 =	vcmask $0x2B28;
	v2 =	vsel vm11, $0x6A2, v2  }
0x3f: {  	vm9 =	vcmask $0x2F2C;
	v2 =	vsel vm4, $0x6A4, v2  }
0x40: {  	vm10 =	vcmask $0x3330;
	v2 =	vsel vm9, $0x6A5, v2  }
0x41: {  	vm8 =	vcmask $0x3734;
	v2 =	vsel vm10, $0x6A0, v2  }
0x42: {  	vm12 =	vcmask $0x3B38;
	v3 =	vmul.u32 $0x6, v3;
	v2 =	vsel vm8, $0x6A1, v2  }
0x43: {  	v2 =	vsel vm12, $0x6A2, v2  }
0x44: {  	v3 =	vadd.s32 v2, v3;
	_ =	sdelay $0x2  }
0x45: {  	vm15 =	vcmask $0x700;
	v59 =	vimm.s32 $0x6A1;
	v5 =	vimm.s32 $0x475  }
0x46: {  	vm14 =	vcmask $0x3720;
	v5 =	vsel vm15, $0x472, v5;
	vm15 =	vcmask $0x1F08  }
0x47: {  	v6 =	vsel vm13, $0x6A4, v59;
	v4 =	vadd.s32 $0x431, v0;
	v5 =	vsel vm15, $0x473, v5;
	v3 =	vld.idx.msk [tilespmem:v3+s3+$0x0], $0xffff  }
0x48: {  	v6 =	vsel vm6, $0x6A5, v6;
	v5 =	vsel vm14, $0x474, v5  }
0x49: {  	v6 =	vsel vm5, $0x6A0, v6  }
0x4a: {  	v6 =	vsel vm1, $0x6A2, v6  }
0x4b: {  	v6 =	vsel vm2, $0x6A3, v6  }
0x4c: {  	[tilespmem:v4+s29+$0x0] =	vst.idx.msk $0xffff, v3;
	v3 =	vsel vm3, $0x6A4, v6  }
0x4d: {  	v4 =	vld.idx.msk [tilespmem:v5+s3+$0x0], $0xffff;
	v3 =	vsel vm7, $0x6A5, v3  }
0x4e: {  	v3 =	vsel vm11, $0x6A0, v3  }
0x4f: {  	v3 =	vsel vm4, $0x6A2, v3  }
0x50: {  	v3 =	vsel vm9, $0x6A3, v3  }
0x51: {  	v3 =	vsel vm10, $0x6A4, v3  }
0x52: {  	v4 =	vmul.u32 $0x6, v4;
	v3 =	vsel vm8, $0x6A5, v3  }
0x53: {  	v3 =	vsel vm12, $0x6A0, v3  }
0x54: {  	v4 =	vadd.s32 v3, v4;
	_ =	sdelay $0x2  }
0x55: {  	v7 =	vimm.s32 $0x6A5;
	vm0 =	vmmov vm13  }
0x56: {  	v60 =	vimm.s32 $0x477;
	vm13 =	vcmask $0xF00;
	v7 =	vsel vm0, $0x6A2, v7  }
0x57: {  	vm0 =	vcmask $0x2710;
	v6 =	vsel vm13, $0x475, v60;
	v5 =	vadd.s32 $0x441, v0;
	v4 =	vld.idx.msk [tilespmem:v4+s3+$0x0], $0xffff  }
0x58: {  	v7 =	vsel vm6, $0x6A3, v7;
	v6 =	vsel vm0, $0x476, v6  }
0x59: {  	v7 =	vsel vm5, $0x6A4, v7  }
0x5a: {  	v7 =	vsel vm1, $0x6A0, v7  }
0x5b: {  	v7 =	vsel vm2, $0x6A1, v7  }
0x5c: {  	[tilespmem:v5+s29+$0x0] =	vst.idx.msk $0xffff, v4;
	v4 =	vsel vm3, $0x6A2, v7  }
0x5d: {  	v5 =	vld.idx.msk [tilespmem:v6+s3+$0x0], $0xffff;
	v4 =	vsel vm7, $0x6A3, v4  }
0x5e: {  	v4 =	vsel vm11, $0x6A4, v4  }
0x5f: {  	v4 =	vsel vm4, $0x6A0, v4  }
0x60: {  	v4 =	vsel vm9, $0x6A1, v4  }
0x61: {  	v4 =	vsel vm10, $0x6A2, v4  }
0x62: {  	v5 =	vmul.u32 $0x6, v5;
	v4 =	vsel vm8, $0x6A3, v4  }
0x63: {  	v4 =	vsel vm12, $0x6A4, v4  }
0x64: {  	v5 =	vadd.s32 v4, v5;
	_ =	sdelay $0x2  }
0x65: {  	v61 =	vimm.s32 $0x47A  }
0x66: {  	vm5 =	vmmov vm7;
	vm7 =	vmmov vm11;
	vm11 =	vcmask $0x1700  }
0x67: {  	v62 =	vadd.s32 $0x451, v0;
	v6 =	vsel vm11, $0x478, v61;
	vm11 =	vcmask $0x2F18;
	v5 =	vld.idx.msk [tilespmem:v5+s3+$0x0], $0xffff  }
0x68: {  	v6 =	vsel vm11, $0x479, v6;
	_ =	sdelay $0x3  }
0x69: {  	[tilespmem:v62+s29+$0x0] =	vst.idx.msk $0xffff, v5  }
0x6a: {  	v5 =	vld.idx.msk [tilespmem:v6+s3+$0x0], $0xffff;
	_ =	sdelay $0x4  }
0x6b: {  	v5 =	vmul.u32 $0x6, v5;
	_ =	sdelay $0x1  }
0x6c: {  	v2 =	vadd.s32 v2, v5;
	_ =	sdelay $0x2  }
0x6d: {  	vm11 =	vcmask $0x700;
	v5 =	vimm.s32 $0x47D  }
0x6e: {  	v5 =	vsel vm11, $0x47A, v5  }
0x6f: {  	v63 =	vadd.s32 $0x461, v0;
	v5 =	vsel vm15, $0x47B, v5;
	v2 =	vld.idx.msk [tilespmem:v2+s3+$0x0], $0xffff  }
0x70: {  	v5 =	vsel vm14, $0x47C, v5;
	_ =	sdelay $0x3  }
0x71: {  	[tilespmem:v63+s29+$0x0] =	vst.idx.msk $0xffff, v2  }
0x72: {  	v2 =	vld.idx.msk [tilespmem:v5+s3+$0x0], $0xffff;
	_ =	sdelay $0x4  }
0x73: {  	v2 =	vmul.u32 $0x6, v2;
	_ =	sdelay $0x1  }
0x74: {  	v2 =	vadd.s32 v3, v2;
	_ =	sdelay $0x3  }
0x75: {  	v3 =	vimm.s32 $0x47F  }
0x76: {  	v5 =	vadd.s32 $0x471, v0;
	v3 =	vsel vm13, $0x47D, v3;
	v2 =	vld.idx.msk [tilespmem:v2+s3+$0x0], $0xffff  }
0x77: {  	v3 =	vsel vm0, $0x47E, v3;
	_ =	sdelay $0x3  }
0x78: {  	[tilespmem:v5+s29+$0x0] =	vst.idx.msk $0xffff, v2  }
0x79: {  	v2 =	vld.idx.msk [tilespmem:v3+s3+$0x0], $0xffff;
	_ =	sdelay $0x4  }
0x7a: {  	v2 =	vmul.u32 $0x6, v2;
	_ =	sdelay $0x1  }
0x7b: {  	v2 =	vadd.s32 v4, v2;
	_ =	sdelay $0x4  }
0x7c: {  	v3 =	vadd.s32 $0x481, v0;
	v2 =	vld.idx.msk [tilespmem:v2+s3+$0x0], $0xffff;
	_ =	sdelay $0x4  }
0x7d: {  	[tilespmem:v3+s29+$0x0] =	vst.idx.msk $0x3ff, v2  }
0x7e: {  	v2 =	vld [tilespmem:$0x480];
	_ =	sdelay $0x1  }
0x7f: {  	v3 =	vadd.s32 $0x48B, v0;
	_ =	sdelay $0x2  }
0x80: {  	v2 =	vcvt.s32.f32 v2;
	_ =	sdelay $0x1  }
0x81: {  	[tilespmem:v3+s29+$0x0] =	vst.idx.msk $0xffff, v2  }
0x82: {  	v2 =	vld [tilespmem:$0x490];
	_ =	sdelay $0x1  }
0x83: {  	v3 =	vadd.s32 $0x49B, v0;
	_ =	sdelay $0x2  }
0x84: {  	v2 =	vcvt.s32.f32 v2;
	_ =	sdelay $0x1  }
0x85: {  	[tilespmem:v3+s29+$0x0] =	vst.idx.msk $0xffff, v2  }
0x86: {  	v2 =	vld [tilespmem:$0x4A0];
	_ =	sdelay $0x1  }
0x87: {  	v3 =	vadd.s32 $0x4AB, v0;
	_ =	sdelay $0x2  }
0x88: {  	v2 =	vcvt.s32.f32 v2;
	_ =	sdelay $0x1  }
0x89: {  	[tilespmem:v3+s29+$0x0] =	vst.idx.msk $0xffff, v2  }
0x8a: {  	v2 =	vld [tilespmem:$0x4B0];
	_ =	sdelay $0x1  }
0x8b: {  	v3 =	vadd.s32 $0x4BB, v0;
	_ =	sdelay $0x2  }
0x8c: {  	v2 =	vcvt.s32.f32 v2;
	_ =	sdelay $0x1  }
0x8d: {  	[tilespmem:v3+s29+$0x0] =	vst.idx.msk $0xffff, v2  }
0x8e: {  	v2 =	vld [tilespmem:$0x4C0];
	_ =	sdelay $0x1  }
0x8f: {  	v3 =	vadd.s32 $0x4CB, v0;
	_ =	sdelay $0x2  }
0x90: {  	v2 =	vcvt.s32.f32 v2;
	_ =	sdelay $0x1  }
0x91: {  	[tilespmem:v3+s29+$0x0] =	vst.idx.msk $0xffff, v2  }
0x92: {  	v2 =	vld [tilespmem:$0x4D0];
	_ =	sdelay $0x1  }
0x93: {  	v3 =	vadd.s32 $0x4DB, v0  }
0x94: {  	vm11 =	vcmask $0x300;
	v4 =	vimm.s32 $0x51A  }
0x95: {  	v4 =	vsel vm11, $0x4FB, v4  }
0x96: {  	vm13 =	vcmask $0xB08;
	v4 =	vsel vm6, $0x4FC, v4;
	v2 =	vcvt.s32.f32 v2  }
0x97: {  	vm14 =	vcmask $0xF0C;
	v4 =	vsel vm13, $0x4FD, v4  }
0x98: {  	v4 =	vsel vm14, $0x4FE, v4;
	[tilespmem:v3+s29+$0x0] =	vst.idx.msk $0xffff, v2  }
0x99: {  	v2 =	vsel vm1, $0x4FF, v4;
	v3 =	vld [tilespmem:$0x4E0]  }
0x9a: {  	v2 =	vsel vm2, $0x500, v2  }
0x9b: {  	v4 =	vadd.s32 $0x4EB, v0;
	v2 =	vsel vm3, $0x501, v2  }
0x9c: {  	v2 =	vsel vm5, $0x502, v2  }
0x9d: {  	vm15 =	vcmask $0x2724;
	v2 =	vsel vm7, $0x513, v2  }
0x9e: {  	v2 =	vsel vm15, $0x514, v2;
	v3 =	vcvt.s32.f32 v3  }
0x9f: {  	v2 =	vsel vm4, $0x515, v2  }
0xa0: {  	v2 =	vsel vm9, $0x516, v2;
	[tilespmem:v4+s29+$0x0] =	vst.idx.msk $0xffff, v3  }
0xa1: {  	v2 =	vsel vm10, $0x517, v2;
	v3 =	vld [tilespmem:$0x4F0]  }
0xa2: {  	v2 =	vsel vm8, $0x518, v2  }
0xa3: {  	v2 =	vsel vm12, $0x519, v2  }
0xa4: {  	v4 =	vimm.s32 $0x4FB;
	_ =	sdelay $0x1  }
0xa5: {  	v3 =	vcvt.s32.f32 v3;
	_ =	sdelay $0x1  }
0xa6: {  	[tilespmem:v2+s29+$0x0] =	vst.idx.msk $0x7ff, v3  }
0xa7: {  	v2 =	vld.idx.msk [tilespmem:v4+s3+$0x0], $0xffff;
	_ =	sdelay $0x4  }
0xa8: {  	v3 =	vor.u32 $0x6E0, v0;
	v2 =	vshll.u32 v2, $0x4  }
0xa9: {  	v2 =	vadd.s32 v3, v2  }
0xaa: {  	v2 =	vand.u32 $0xFFFFFFF8, v2  }
0xab: {  	v1 =	vor.u32 v1, v2;
	_ =	sdelay $0x4  }
0xac: {  	v0 =	vadd.s32 $0x503, v0;
	v1 =	vld.idx.msk [tilespmem:v1+s3+$0x0], $0xffff;
	_ =	sdelay $0x4  }
0xad: {  	s30 =	simm.s32 $0x2;
	[tilespmem:v0+s29+$0x0] =	vst.idx.msk $0xffff, v1  }
0xae: {  	_ =	swait.ge [sflag:s30], $0xE00  }
0xaf: {  	[sflag:s30] =	ssyncset.done $0x0  }
0xb0: {  	s31 =	simm.s32 $0x0;
	[sflag:s30] =	ssyncadd.s32 $0xFFFFF200  }
0xb1: {  	v1 =	vld [tilespmem:s31+$0x830]  }
0xb2: {  	s2 =	simm.s32 $0x80;
	v2 =	vimm.f32 $0.0e+00;
	v0 =	vimm.f32 $0.0e+00;
	v3 =	vld [tilespmem:s31+$0x820]  }
.LBB2_4:
0xb3: {  	p1 =	sne.s32 s2, $0x3180  }
.Ltmp2:
0xb4: {  	_ = 	snop;
	(pc) =	sbr.rel @p1 .LBB2_4-.Ltmp2, $4  }
0xb5: {  	_ = 	snop  }
0xb6: {  	s3 =	sshra.s32 s2, $0x2;
	s2 =	sadd.s32 $0x80, s2;
	v0 =	vadd.f32 v1, v0  }
0xb7: {  	v1 =	vld [tilespmem:s3+$0x830];
	v2 =	vadd.f32 v3, v2  }
0xb8: {  	v3 =	vld [tilespmem:s3+$0x820]  }
0xb9: {  	_ =	sdelay $0x1  }
0xba: {  	v4 =	vlaneseq.u32  }
0xbb: {  	v5 =	vadd.s32 $0x3E9, v4  }
0xbc: {  	v62 =	vadd.s32 $0x3F9, v4;
	v2 =	vadd.f32 v3, v2  }
0xbd: {  	v0 =	vadd.f32 v1, v0  }
0xbe: {  	v63 =	vmul.f32 $9.999999770e-03, v2  }
0xbf: {  	s2 =	simm.s32 $0x1620;
	v0 =	vmul.f32 $9.999999770e-03, v0  }
0xc0: {  	[tilespmem:v5+s2+$0x0] =	vst.idx.msk $0xffff, v63  }
0xc1: {  	s3 =	simm.s32 $0x0;
	s31 =	simm.s32 $0x3;
	[tilespmem:v62+s2+$0x0] =	vst.idx.msk $0xffff, v0  }
0xc2: {  	[hbm4b:s1+s3] =	stream.linear.scatter [tilespmem:s2], [sflag:$0x3], $0x516, $0x38;
	[tilespmem:$0x1B40] =	vst v63  }
0xc3: {  	_ =	swait.ge [sflag:s31], $0x516  }
0xc4: {  	[sflag:s31] =	ssyncset.done $0x0  }
0xc5: {  	[sflag:s31] =	ssyncadd.s32 $0xFFFFFAEA  }
.LBB2_6:
0xc6: {  	_ =	sfence.sel $0x180000  }
0xc7: {  	[bflag:$0x0] =	sbarrier.arrive $0xFFFF  }
0xc8: {  	_ =	strace $0x90000047  }
0xc9: {  	s0 =	sadd.s32 @!p0 $0x100000, s0;
	[bflag:$0x2] =	sbarrier.arrive $0xFFFF  }
0xca: {  	[sflag:s0] =	ssyncadd.tile.s32 @!p0 $0x1;
	_ =	shalt  }
.Lfunc_end2:
_tile_overlayer_lowered:
.L_overlay_start_2:
0xcb: {  	(tag) =	ssettag $0x2  }
0xcc: {  	s0 =	rddreg [dreg:$0x0];
	s2 =	stileid.u32  }
0xcd: {  	s1 =	rddreg [dreg:$0x1];
	p0 =	sne.s32 s2, $0x0  }
0xce: {  	s3 =	rddreg [dreg:$0x2];
	[bflag:$0x3] =	sbarrier.arrive $0xFFFF;
	s2 =	simm.s32 @!p0 $0x1C03  }
0xcf: {  	[timem:s3], [sflag:s2] =	dma.local @!p0 [hbm:s0], s1  }
0xd0: {  	s0 =	simm.s32 @!p0 $0x3  }
0xd1: {  	_ =	swait.ge @!p0 [sflag:s0], s1  }
0xd2: {  	s1 =	ssub.s32 @!p0 $0x0, s1;
	[sflag:s0] =	ssyncset.done @!p0 $0x0  }
0xd3: {  	[sflag:s0] =	ssyncadd.s32 @!p0 s1  }
0xd4: {  	[bflag:$0x3] =	sbarrier.arrive $0xFFFF  }
0xd5: {  	_ =	shalt  }

</sc_bundles>
